<compile_context>
chip_gen: v7x
topology: tpu7x:2x2x1
jax: 0.10.2.dev20260603
libtpu: 0.0.44.dev20260713+nightly
codegen_flags: <defaults>
</compile_context>

<pallas_src>
import functools

import jax
import jax.numpy as jnp
from jax import lax
from jax.experimental import pallas as pl
from jax.experimental.pallas import tpu as pltpu
from jax.experimental.pallas import tpu_sc as plsc

_NUM_SC = 1
_NUM_SUBCORES = 16
_LANES = 16
_NUM_WORKERS = _NUM_SC * _NUM_SUBCORES

_IDX_CHUNK = 128




def _f16_bits_to_bf16(bits16):
    u = bits16.astype(jnp.int32) & 0xFFFF
    sign = u & 0x8000
    mag = ((u & 0x7FFF) >> 3) + (112 << 7)
    is_sub = (u & 0x7C00) == 0
    out = sign | jnp.where(is_sub, 0, mag)
    return lax.bitcast_convert_type(out.astype(jnp.int16), jnp.bfloat16)


def _dense_body(xbits_hbm, at_hbm, p_hbm, xv, av, pv, semx, sema, semp):
    d = at_hbm.shape[0]
    slab = d // 4
    cps = [pltpu.make_async_copy(xbits_hbm, xv, semx)]
    for s in range(4):
        cps.append(pltpu.make_async_copy(
            at_hbm.at[pl.ds(s * slab, slab), :],
            av.at[pl.ds(s * slab, slab), :],
            sema,
        ))
    for cp in cps:
        cp.start()
    for cp in cps:
        cp.wait()
    xb = _f16_bits_to_bf16(xv[...])
    pv[...] = lax.dot_general(
        xb, av[...],
        dimension_numbers=(((1,), (0,)), ((), ())),
        preferred_element_type=jnp.float32,
    )
    cpp = pltpu.make_async_copy(pv, p_hbm, semp)
    cpp.start()
    cpp.wait()


def _dense_stage(xbits, at):
    batch, d = xbits.shape
    n = at.shape[1]
    return pl.pallas_call(
        _dense_body,
        in_specs=[
            pl.BlockSpec(memory_space=pl.ANY),
            pl.BlockSpec(memory_space=pl.ANY),
        ],
        out_specs=pl.BlockSpec(memory_space=pl.ANY),
        out_shape=jax.ShapeDtypeStruct((batch, n), jnp.float32),
        scratch_shapes=[
            pltpu.VMEM((batch, d), jnp.int16),
            pltpu.VMEM((d, n), jnp.bfloat16),
            pltpu.VMEM((batch, n), jnp.float32),
            pltpu.SemaphoreType.DMA,
            pltpu.SemaphoreType.DMA,
            pltpu.SemaphoreType.DMA,
        ],
    )(xbits, at)


def _make_gather_stage(n_idx, cb, stride_i, stride_w, r):
    chunk = n_idx // _NUM_WORKERS
    n_fire = chunk // _IDX_CHUNK
    vecs_per_fire = _IDX_CHUNK // _LANES
    r_shift = r.bit_length() - 1
    assert (1 << r_shift) == r
    assert chunk % _IDX_CHUNK == 0

    mesh = plsc.VectorSubcoreMesh(
        core_axis_name="c", subcore_axis_name="s", num_cores=_NUM_SC
    )

    @functools.partial(
        pl.kernel,
        mesh=mesh,
        compiler_params=pltpu.CompilerParams(
            needs_layout_passes=False,
            skip_device_barrier=True,
        ),
        out_type=jax.ShapeDtypeStruct((n_idx,), jnp.float32),
        scratch_types=[
            pltpu.VMEM((chunk,), jnp.int32),
            pltpu.VMEM((cb,), jnp.int32),
            pltpu.VMEM((n_fire, _IDX_CHUNK), jnp.int32),
            pltpu.VMEM((chunk,), jnp.float32),
            pltpu.SemaphoreType.DMA,
        ],
    )
    def gather_kernel(p_hbm, xids_hbm, wids_hbm, out_hbm, xv, wv, iv, ov, sem):
        wid = lax.axis_index("s") * _NUM_SC + lax.axis_index("c")
        base = wid * chunk
        pltpu.sync_copy(xids_hbm.at[pl.ds(base, chunk)], xv)
        pltpu.sync_copy(wids_hbm, wv)

        lanes = lax.iota(jnp.int32, _LANES)
        copies = []
        for c in range(n_fire):
            def body(o, _, c=c):
                t = c * _IDX_CHUNK + o * _LANES
                j_local = lanes + t
                j = j_local + base
                b = j >> r_shift
                rr = j & (r - 1)
                w = plsc.load_gather(wv, [b])
                xi = xv[pl.ds(t, _LANES)]
                iv[c, pl.ds(o * _LANES, _LANES)] = (
                    xi * stride_i + w * stride_w + rr
                )
                return 0
            lax.fori_loop(0, vecs_per_fire, body, 0)
            copies.append(pltpu.async_copy(
                p_hbm.at[iv.at[c]],
                ov.at[pl.ds(c * _IDX_CHUNK, _IDX_CHUNK)],
                sem,
            ))
        for cp in copies:
            cp.wait()

        pltpu.sync_copy(ov, out_hbm.at[pl.ds(base, chunk)])

    return gather_kernel


def kernel(x, xids, wids, A):
    num_adapters, d, r = A.shape
    cb = wids.shape[0]
    n_idx = xids.shape[0]

    xbits = lax.bitcast_convert_type(x[:, 0, :], jnp.int16)
    at = A.astype(jnp.bfloat16).transpose(1, 0, 2).reshape(d, num_adapters * r)
    p = _dense_stage(xbits, at)
    p_flat = p.reshape(-1)
    gather = _make_gather_stage(n_idx, cb, num_adapters * r, r, r)
    out_flat = gather(p_flat, xids, wids)
    return out_flat.reshape(cb, 1, r).astype(jnp.float16)

# --- scband reference (transcript-rebuilt; emitter-appended) ---
"""Pipeline reference for scband-combined-lora-a-59459527246479 (READ-ONLY COPY).

The authoritative reference and input builder live on the scoring server;
editing this copy changes nothing except your own understanding.
"""

import jax, jax.numpy as jnp
import numpy as np

BATCH_SIZE = 512
COMBINED_BS = 320
LARGE_R = 64
NUM_COMBINED_ADAPTERS = 20
D = 4096


def setup_inputs(seed: int = 0) -> dict:
    key = jax.random.key(seed)
    k1, k2, k3, k4 = jax.random.split(key, 4)
    x = jax.random.normal(k1, (BATCH_SIZE, 1, D), dtype=jnp.float32).astype(jnp.float16)
    xids = jax.random.randint(k2, (COMBINED_BS * LARGE_R,), 0, BATCH_SIZE, dtype=jnp.int32)
    wids = jax.random.randint(k3, (COMBINED_BS,), 0, NUM_COMBINED_ADAPTERS, dtype=jnp.int32)
    A = (jax.random.normal(k4, (NUM_COMBINED_ADAPTERS, D, LARGE_R), dtype=jnp.float32) * 0.02).astype(jnp.float16)
    return {"x": x, "xids": xids, "wids": wids, "A": A}


def reference(x, xids, wids, A):
    # out[b, 0, r] = sum_k x[xids[b*R + r], 0, k] * A[wids[b], k, r]
    CB = wids.shape[0]
    R = A.shape[2]
    idx = xids.reshape(CB, R)                      # per-output-element x-row gather
    x_rows = jnp.take(x[:, 0, :], idx, axis=0)     # [CB, R, D] gather
    A_g = jnp.take(A, wids, axis=0)                # [CB, D, R] adapter gather
    out = jnp.einsum('brk,bkr->br', x_rows.astype(jnp.float32), A_g.astype(jnp.float32))
    return out[:, None, :].astype(jnp.float16)

if __name__ == "__main__":
    import jax
    _d = setup_inputs()
    print(jax.jit(kernel)(*tuple(_d.values())))

</pallas_src>

<mosaic_0001>
#map = affine_map<(d0, d1) -> (0)>
module attributes {stable_mosaic.version = 14 : i64} {
  func.func @gather_kernel(%arg0: i32, %arg1: i32, %arg2: memref<655360xf32, #tpu.memory_space<hbm>>, %arg3: memref<20480xi32, #tpu.memory_space<hbm>>, %arg4: memref<320xi32, #tpu.memory_space<hbm>>, %arg5: memref<20480xf32, #tpu.memory_space<hbm>>, %arg6: memref<1280xi32, #tpu.memory_space<vmem>>, %arg7: memref<320xi32, #tpu.memory_space<vmem>>, %arg8: memref<10x128xi32, #tpu.memory_space<vmem>>, %arg9: memref<1280xf32, #tpu.memory_space<vmem>>, %arg10: memref<!tpu.dma_semaphore, #tpu.memory_space<semaphore_mem>>) attributes {dimension_semantics = [#tpu.dimension_semantics<core_parallel>, #tpu.dimension_semantics<subcore_parallel>], iteration_bounds = array<i64: 1, 16>, scalar_prefetch = 0 : i64, scratch_operands = 5 : i64, tpu.core_type = #tpu.core_type<sc_vector_subcore>, window_params = [{transform_indices = #map}, {transform_indices = #map}, {transform_indices = #map}, {transform_indices = #map}]} {
    %mul3A = arith.constant 1 : i32
    %mul3A_0 = arith.muli %arg1, %mul3A : i32
    %add3A = arith.addi %mul3A_0, %arg0 : i32
    %mul3A_1 = arith.constant 1280 : i32
    %mul3A_2 = arith.muli %add3A, %mul3A_1 : i32
    "tpu.region"() ({
      %run_scoped3A = tpu.sem_alloc : memref<!tpu.dma_semaphore, #tpu.memory_space<semaphore_mem>>
      %dma_start3A_230 = tpu.memref_slice %arg3[%mul3A_2] : memref<20480xi32, #tpu.memory_space<hbm>> -> memref<1280xi32, #tpu.memory_space<hbm>>
      %dma_start3A_231 = tpu.memref_slice %arg3[%mul3A_2] : memref<20480xi32, #tpu.memory_space<hbm>> -> memref<1280xi32, #tpu.memory_space<hbm>>
      tpu.enqueue_dma source(%dma_start3A_231 : memref<1280xi32, #tpu.memory_space<hbm>>) target(%arg6 : memref<1280xi32, #tpu.memory_space<vmem>>) target_semaphore(%run_scoped3A : memref<!tpu.dma_semaphore, #tpu.memory_space<semaphore_mem>>)
      %dma_wait3A_232 = tpu.memref_slice %arg3[%mul3A_2] : memref<20480xi32, #tpu.memory_space<hbm>> -> memref<1280xi32, #tpu.memory_space<hbm>>
      %dma_wait3A_233 = tpu.memref_slice %arg3[%mul3A_2] : memref<20480xi32, #tpu.memory_space<hbm>> -> memref<1280xi32, #tpu.memory_space<hbm>>
      tpu.wait_dma2 semaphore(%run_scoped3A : memref<!tpu.dma_semaphore, #tpu.memory_space<semaphore_mem>>) src(%dma_wait3A_233 : memref<1280xi32, #tpu.memory_space<hbm>>) dst(%arg6 : memref<1280xi32, #tpu.memory_space<vmem>>)
      tpu.yield
    }) : () -> ()
    "tpu.region"() ({
      %run_scoped3A = tpu.sem_alloc : memref<!tpu.dma_semaphore, #tpu.memory_space<semaphore_mem>>
      tpu.enqueue_dma source(%arg4 : memref<320xi32, #tpu.memory_space<hbm>>) target(%arg7 : memref<320xi32, #tpu.memory_space<vmem>>) target_semaphore(%run_scoped3A : memref<!tpu.dma_semaphore, #tpu.memory_space<semaphore_mem>>)
      tpu.wait_dma2 semaphore(%run_scoped3A : memref<!tpu.dma_semaphore, #tpu.memory_space<semaphore_mem>>) src(%arg4 : memref<320xi32, #tpu.memory_space<hbm>>) dst(%arg7 : memref<320xi32, #tpu.memory_space<vmem>>)
      tpu.yield
    }) : () -> ()
    %iota3A = tpu.iota {dimensions = array<i32: 0>} : vector<16xi32>
    %scan3A = arith.constant 0 : i32
    %scan3A_3 = arith.constant 0 : i32
    %scan3A_4 = arith.constant 8 : i32
    %scan3A_5 = arith.addi %scan3A_3, %scan3A_4 : i32
    %scan3A_6 = arith.constant 1 : i32
    %scan3A_7 = scf.for %scan3A_230 = %scan3A_3 to %scan3A_5 step %scan3A_6 iter_args(%scan3A_231 = %scan3A) -> (i32)  : i32 {
      %mul3A_232 = arith.constant 16 : i32
      %mul3A_233 = arith.muli %scan3A_230, %mul3A_232 : i32
      %add3A_234 = arith.constant 0 : i32
      %add3A_235 = arith.addi %add3A_234, %mul3A_233 : i32
      %add3A_236 = vector.broadcast %add3A_235 : i32 to vector<16xi32>
      %add3A_237 = arith.addi %iota3A, %add3A_236 : vector<16xi32>
      %add3A_238 = vector.broadcast %mul3A_2 : i32 to vector<16xi32>
      %add3A_239 = arith.addi %add3A_237, %add3A_238 : vector<16xi32>
      %shift_right_arithmetic3A = arith.constant 6 : i32
      %shift_right_arithmetic3A_240 = vector.broadcast %shift_right_arithmetic3A : i32 to vector<16xi32>
      %shift_right_arithmetic3A_241 = arith.shrsi %add3A_239, %shift_right_arithmetic3A_240 : vector<16xi32>
      %and3A = arith.constant 63 : i32
      %and3A_242 = vector.broadcast %and3A : i32 to vector<16xi32>
      %and3A_243 = arith.andi %add3A_239, %and3A_242 : vector<16xi32>
      %gather3A = tpu.vector_load_idx %arg7[%shift_right_arithmetic3A_241] : memref<320xi32, #tpu.memory_space<vmem>>[vector<16xi32>], vector<16xi32>,
      %get3A = arith.index_cast %add3A_235 : i32 to index
      %get3A_244 = tpu.vector_load %arg6[%get3A] {strides = array<i32>} : memref<1280xi32, #tpu.memory_space<vmem>>, vector<16xi32>,
      %mul3A_245 = arith.constant 1280 : i32
      %mul3A_246 = vector.broadcast %mul3A_245 : i32 to vector<16xi32>
      %mul3A_247 = arith.muli %get3A_244, %mul3A_246 : vector<16xi32>
      %mul3A_248 = arith.constant 64 : i32
      %mul3A_249 = vector.broadcast %mul3A_248 : i32 to vector<16xi32>
      %mul3A_250 = arith.muli %gather3A, %mul3A_249 : vector<16xi32>
      %add3A_251 = arith.addi %mul3A_247, %mul3A_250 : vector<16xi32>
      %add3A_252 = arith.addi %add3A_251, %and3A_243 : vector<16xi32>
      %mul3A_253 = arith.constant 16 : i32
      %mul3A_254 = arith.muli %scan3A_230, %mul3A_253 : i32
      %swap3A = arith.constant 0 : i32
      %swap3A_255 = arith.index_cast %swap3A : i32 to index
      %swap3A_256 = arith.index_cast %mul3A_254 : i32 to index
      %swap3A_257 = tpu.vector_load %arg8[%swap3A_255, %swap3A_256] {strides = array<i32>} : memref<10x128xi32, #tpu.memory_space<vmem>>, vector<16xi32>,
      tpu.vector_store %arg8[%swap3A_255, %swap3A_256], %add3A_252 {strides = array<i32>} : memref<10x128xi32, #tpu.memory_space<vmem>>, vector<16xi32>,
      %scan3A_258 = arith.constant 0 : i32
      scf.yield %scan3A_258 : i32
    }
    %scan3A_8 = arith.constant 8 : i32
    %dma_start3A = arith.constant 0 : i32
    %dma_start3A_9 = arith.constant 0 : i32
    %dma_start3A_10 = tpu.memref_slice %arg9[%dma_start3A_9] : memref<1280xf32, #tpu.memory_space<vmem>> -> memref<128xf32, #tpu.memory_space<vmem>>
    %dma_start3A_11 = arith.constant 0 : i32
    %dma_start3A_12 = tpu.memref_slice %arg8[%dma_start3A, %dma_start3A_11] : memref<10x128xi32, #tpu.memory_space<vmem>> -> memref<1x128xi32, #tpu.memory_space<vmem>>
    %dma_start3A_13 = tpu.memref_squeeze %dma_start3A_12 : memref<1x128xi32, #tpu.memory_space<vmem>> -> memref<128xi32, #tpu.memory_space<vmem>>
    %dma_start3A_14 = arith.constant 0 : i32
    %dma_start3A_15 = tpu.memref_slice %arg2[%dma_start3A_14] : memref<655360xf32, #tpu.memory_space<hbm>> -> memref<655360xf32, #tpu.memory_space<hbm>>
    tpu.enqueue_indirect_dma source(%dma_start3A_15 : memref<655360xf32, #tpu.memory_space<hbm>>) target(%dma_start3A_10 : memref<128xf32, #tpu.memory_space<vmem>>) offsets(%dma_start3A_13 : memref<128xi32, #tpu.memory_space<vmem>>) semaphore(%arg10 : memref<!tpu.dma_semaphore, #tpu.memory_space<semaphore_mem>>)
    %scan3A_16 = arith.constant 0 : i32
    %scan3A_17 = arith.constant 0 : i32
    %scan3A_18 = arith.constant 8 : i32
    %scan3A_19 = arith.addi %scan3A_17, %scan3A_18 : i32
    %scan3A_20 = arith.constant 1 : i32
    %scan3A_21 = scf.for %scan3A_230 = %scan3A_17 to %scan3A_19 step %scan3A_20 iter_args(%scan3A_231 = %scan3A_16) -> (i32)  : i32 {
      %mul3A_232 = arith.constant 16 : i32
      %mul3A_233 = arith.muli %scan3A_230, %mul3A_232 : i32
      %add3A_234 = arith.constant 128 : i32
      %add3A_235 = arith.addi %add3A_234, %mul3A_233 : i32
      %add3A_236 = vector.broadcast %add3A_235 : i32 to vector<16xi32>
      %add3A_237 = arith.addi %iota3A, %add3A_236 : vector<16xi32>
      %add3A_238 = vector.broadcast %mul3A_2 : i32 to vector<16xi32>
      %add3A_239 = arith.addi %add3A_237, %add3A_238 : vector<16xi32>
      %shift_right_arithmetic3A = arith.constant 6 : i32
      %shift_right_arithmetic3A_240 = vector.broadcast %shift_right_arithmetic3A : i32 to vector<16xi32>
      %shift_right_arithmetic3A_241 = arith.shrsi %add3A_239, %shift_right_arithmetic3A_240 : vector<16xi32>
      %and3A = arith.constant 63 : i32
      %and3A_242 = vector.broadcast %and3A : i32 to vector<16xi32>
      %and3A_243 = arith.andi %add3A_239, %and3A_242 : vector<16xi32>
      %gather3A = tpu.vector_load_idx %arg7[%shift_right_arithmetic3A_241] : memref<320xi32, #tpu.memory_space<vmem>>[vector<16xi32>], vector<16xi32>,
      %get3A = arith.index_cast %add3A_235 : i32 to index
      %get3A_244 = tpu.vector_load %arg6[%get3A] {strides = array<i32>} : memref<1280xi32, #tpu.memory_space<vmem>>, vector<16xi32>,
      %mul3A_245 = arith.constant 1280 : i32
      %mul3A_246 = vector.broadcast %mul3A_245 : i32 to vector<16xi32>
      %mul3A_247 = arith.muli %get3A_244, %mul3A_246 : vector<16xi32>
      %mul3A_248 = arith.constant 64 : i32
      %mul3A_249 = vector.broadcast %mul3A_248 : i32 to vector<16xi32>
      %mul3A_250 = arith.muli %gather3A, %mul3A_249 : vector<16xi32>
      %add3A_251 = arith.addi %mul3A_247, %mul3A_250 : vector<16xi32>
      %add3A_252 = arith.addi %add3A_251, %and3A_243 : vector<16xi32>
      %mul3A_253 = arith.constant 16 : i32
      %mul3A_254 = arith.muli %scan3A_230, %mul3A_253 : i32
      %swap3A = arith.constant 1 : i32
      %swap3A_255 = arith.index_cast %swap3A : i32 to index
      %swap3A_256 = arith.index_cast %mul3A_254 : i32 to index
      %swap3A_257 = tpu.vector_load %arg8[%swap3A_255, %swap3A_256] {strides = array<i32>} : memref<10x128xi32, #tpu.memory_space<vmem>>, vector<16xi32>,
      tpu.vector_store %arg8[%swap3A_255, %swap3A_256], %add3A_252 {strides = array<i32>} : memref<10x128xi32, #tpu.memory_space<vmem>>, vector<16xi32>,
      %scan3A_258 = arith.constant 0 : i32
      scf.yield %scan3A_258 : i32
    }
    %scan3A_22 = arith.constant 8 : i32
    %dma_start3A_23 = arith.constant 1 : i32
    %dma_start3A_24 = arith.constant 128 : i32
    %dma_start3A_25 = tpu.memref_slice %arg9[%dma_start3A_24] : memref<1280xf32, #tpu.memory_space<vmem>> -> memref<128xf32, #tpu.memory_space<vmem>>
    %dma_start3A_26 = arith.constant 0 : i32
    %dma_start3A_27 = tpu.memref_slice %arg8[%dma_start3A_23, %dma_start3A_26] : memref<10x128xi32, #tpu.memory_space<vmem>> -> memref<1x128xi32, #tpu.memory_space<vmem>>
    %dma_start3A_28 = tpu.memref_squeeze %dma_start3A_27 : memref<1x128xi32, #tpu.memory_space<vmem>> -> memref<128xi32, #tpu.memory_space<vmem>>
    %dma_start3A_29 = arith.constant 0 : i32
    %dma_start3A_30 = tpu.memref_slice %arg2[%dma_start3A_29] : memref<655360xf32, #tpu.memory_space<hbm>> -> memref<655360xf32, #tpu.memory_space<hbm>>
    tpu.enqueue_indirect_dma source(%dma_start3A_30 : memref<655360xf32, #tpu.memory_space<hbm>>) target(%dma_start3A_25 : memref<128xf32, #tpu.memory_space<vmem>>) offsets(%dma_start3A_28 : memref<128xi32, #tpu.memory_space<vmem>>) semaphore(%arg10 : memref<!tpu.dma_semaphore, #tpu.memory_space<semaphore_mem>>)
    %scan3A_31 = arith.constant 0 : i32
    %scan3A_32 = arith.constant 0 : i32
    %scan3A_33 = arith.constant 8 : i32
    %scan3A_34 = arith.addi %scan3A_32, %scan3A_33 : i32
    %scan3A_35 = arith.constant 1 : i32
    %scan3A_36 = scf.for %scan3A_230 = %scan3A_32 to %scan3A_34 step %scan3A_35 iter_args(%scan3A_231 = %scan3A_31) -> (i32)  : i32 {
      %mul3A_232 = arith.constant 16 : i32
      %mul3A_233 = arith.muli %scan3A_230, %mul3A_232 : i32
      %add3A_234 = arith.constant 256 : i32
      %add3A_235 = arith.addi %add3A_234, %mul3A_233 : i32
      %add3A_236 = vector.broadcast %add3A_235 : i32 to vector<16xi32>
      %add3A_237 = arith.addi %iota3A, %add3A_236 : vector<16xi32>
      %add3A_238 = vector.broadcast %mul3A_2 : i32 to vector<16xi32>
      %add3A_239 = arith.addi %add3A_237, %add3A_238 : vector<16xi32>
      %shift_right_arithmetic3A = arith.constant 6 : i32
      %shift_right_arithmetic3A_240 = vector.broadcast %shift_right_arithmetic3A : i32 to vector<16xi32>
      %shift_right_arithmetic3A_241 = arith.shrsi %add3A_239, %shift_right_arithmetic3A_240 : vector<16xi32>
      %and3A = arith.constant 63 : i32
      %and3A_242 = vector.broadcast %and3A : i32 to vector<16xi32>
      %and3A_243 = arith.andi %add3A_239, %and3A_242 : vector<16xi32>
      %gather3A = tpu.vector_load_idx %arg7[%shift_right_arithmetic3A_241] : memref<320xi32, #tpu.memory_space<vmem>>[vector<16xi32>], vector<16xi32>,
      %get3A = arith.index_cast %add3A_235 : i32 to index
      %get3A_244 = tpu.vector_load %arg6[%get3A] {strides = array<i32>} : memref<1280xi32, #tpu.memory_space<vmem>>, vector<16xi32>,
      %mul3A_245 = arith.constant 1280 : i32
      %mul3A_246 = vector.broadcast %mul3A_245 : i32 to vector<16xi32>
      %mul3A_247 = arith.muli %get3A_244, %mul3A_246 : vector<16xi32>
      %mul3A_248 = arith.constant 64 : i32
      %mul3A_249 = vector.broadcast %mul3A_248 : i32 to vector<16xi32>
      %mul3A_250 = arith.muli %gather3A, %mul3A_249 : vector<16xi32>
      %add3A_251 = arith.addi %mul3A_247, %mul3A_250 : vector<16xi32>
      %add3A_252 = arith.addi %add3A_251, %and3A_243 : vector<16xi32>
      %mul3A_253 = arith.constant 16 : i32
      %mul3A_254 = arith.muli %scan3A_230, %mul3A_253 : i32
      %swap3A = arith.constant 2 : i32
      %swap3A_255 = arith.index_cast %swap3A : i32 to index
      %swap3A_256 = arith.index_cast %mul3A_254 : i32 to index
      %swap3A_257 = tpu.vector_load %arg8[%swap3A_255, %swap3A_256] {strides = array<i32>} : memref<10x128xi32, #tpu.memory_space<vmem>>, vector<16xi32>,
      tpu.vector_store %arg8[%swap3A_255, %swap3A_256], %add3A_252 {strides = array<i32>} : memref<10x128xi32, #tpu.memory_space<vmem>>, vector<16xi32>,
      %scan3A_258 = arith.constant 0 : i32
      scf.yield %scan3A_258 : i32
    }
    %scan3A_37 = arith.constant 8 : i32
    %dma_start3A_38 = arith.constant 2 : i32
    %dma_start3A_39 = arith.constant 256 : i32
    %dma_start3A_40 = tpu.memref_slice %arg9[%dma_start3A_39] : memref<1280xf32, #tpu.memory_space<vmem>> -> memref<128xf32, #tpu.memory_space<vmem>>
    %dma_start3A_41 = arith.constant 0 : i32
    %dma_start3A_42 = tpu.memref_slice %arg8[%dma_start3A_38, %dma_start3A_41] : memref<10x128xi32, #tpu.memory_space<vmem>> -> memref<1x128xi32, #tpu.memory_space<vmem>>
    %dma_start3A_43 = tpu.memref_squeeze %dma_start3A_42 : memref<1x128xi32, #tpu.memory_space<vmem>> -> memref<128xi32, #tpu.memory_space<vmem>>
    %dma_start3A_44 = arith.constant 0 : i32
    %dma_start3A_45 = tpu.memref_slice %arg2[%dma_start3A_44] : memref<655360xf32, #tpu.memory_space<hbm>> -> memref<655360xf32, #tpu.memory_space<hbm>>
    tpu.enqueue_indirect_dma source(%dma_start3A_45 : memref<655360xf32, #tpu.memory_space<hbm>>) target(%dma_start3A_40 : memref<128xf32, #tpu.memory_space<vmem>>) offsets(%dma_start3A_43 : memref<128xi32, #tpu.memory_space<vmem>>) semaphore(%arg10 : memref<!tpu.dma_semaphore, #tpu.memory_space<semaphore_mem>>)
    %scan3A_46 = arith.constant 0 : i32
    %scan3A_47 = arith.constant 0 : i32
    %scan3A_48 = arith.constant 8 : i32
    %scan3A_49 = arith.addi %scan3A_47, %scan3A_48 : i32
    %scan3A_50 = arith.constant 1 : i32
    %scan3A_51 = scf.for %scan3A_230 = %scan3A_47 to %scan3A_49 step %scan3A_50 iter_args(%scan3A_231 = %scan3A_46) -> (i32)  : i32 {
      %mul3A_232 = arith.constant 16 : i32
      %mul3A_233 = arith.muli %scan3A_230, %mul3A_232 : i32
      %add3A_234 = arith.constant 384 : i32
      %add3A_235 = arith.addi %add3A_234, %mul3A_233 : i32
      %add3A_236 = vector.broadcast %add3A_235 : i32 to vector<16xi32>
      %add3A_237 = arith.addi %iota3A, %add3A_236 : vector<16xi32>
      %add3A_238 = vector.broadcast %mul3A_2 : i32 to vector<16xi32>
      %add3A_239 = arith.addi %add3A_237, %add3A_238 : vector<16xi32>
      %shift_right_arithmetic3A = arith.constant 6 : i32
      %shift_right_arithmetic3A_240 = vector.broadcast %shift_right_arithmetic3A : i32 to vector<16xi32>
      %shift_right_arithmetic3A_241 = arith.shrsi %add3A_239, %shift_right_arithmetic3A_240 : vector<16xi32>
      %and3A = arith.constant 63 : i32
      %and3A_242 = vector.broadcast %and3A : i32 to vector<16xi32>
      %and3A_243 = arith.andi %add3A_239, %and3A_242 : vector<16xi32>
      %gather3A = tpu.vector_load_idx %arg7[%shift_right_arithmetic3A_241] : memref<320xi32, #tpu.memory_space<vmem>>[vector<16xi32>], vector<16xi32>,
      %get3A = arith.index_cast %add3A_235 : i32 to index
      %get3A_244 = tpu.vector_load %arg6[%get3A] {strides = array<i32>} : memref<1280xi32, #tpu.memory_space<vmem>>, vector<16xi32>,
      %mul3A_245 = arith.constant 1280 : i32
      %mul3A_246 = vector.broadcast %mul3A_245 : i32 to vector<16xi32>
      %mul3A_247 = arith.muli %get3A_244, %mul3A_246 : vector<16xi32>
      %mul3A_248 = arith.constant 64 : i32
      %mul3A_249 = vector.broadcast %mul3A_248 : i32 to vector<16xi32>
      %mul3A_250 = arith.muli %gather3A, %mul3A_249 : vector<16xi32>
      %add3A_251 = arith.addi %mul3A_247, %mul3A_250 : vector<16xi32>
      %add3A_252 = arith.addi %add3A_251, %and3A_243 : vector<16xi32>
      %mul3A_253 = arith.constant 16 : i32
      %mul3A_254 = arith.muli %scan3A_230, %mul3A_253 : i32
      %swap3A = arith.constant 3 : i32
      %swap3A_255 = arith.index_cast %swap3A : i32 to index
      %swap3A_256 = arith.index_cast %mul3A_254 : i32 to index
      %swap3A_257 = tpu.vector_load %arg8[%swap3A_255, %swap3A_256] {strides = array<i32>} : memref<10x128xi32, #tpu.memory_space<vmem>>, vector<16xi32>,
      tpu.vector_store %arg8[%swap3A_255, %swap3A_256], %add3A_252 {strides = array<i32>} : memref<10x128xi32, #tpu.memory_space<vmem>>, vector<16xi32>,
      %scan3A_258 = arith.constant 0 : i32
      scf.yield %scan3A_258 : i32
    }
    %scan3A_52 = arith.constant 8 : i32
    %dma_start3A_53 = arith.constant 3 : i32
    %dma_start3A_54 = arith.constant 384 : i32
    %dma_start3A_55 = tpu.memref_slice %arg9[%dma_start3A_54] : memref<1280xf32, #tpu.memory_space<vmem>> -> memref<128xf32, #tpu.memory_space<vmem>>
    %dma_start3A_56 = arith.constant 0 : i32
    %dma_start3A_57 = tpu.memref_slice %arg8[%dma_start3A_53, %dma_start3A_56] : memref<10x128xi32, #tpu.memory_space<vmem>> -> memref<1x128xi32, #tpu.memory_space<vmem>>
    %dma_start3A_58 = tpu.memref_squeeze %dma_start3A_57 : memref<1x128xi32, #tpu.memory_space<vmem>> -> memref<128xi32, #tpu.memory_space<vmem>>
    %dma_start3A_59 = arith.constant 0 : i32
    %dma_start3A_60 = tpu.memref_slice %arg2[%dma_start3A_59] : memref<655360xf32, #tpu.memory_space<hbm>> -> memref<655360xf32, #tpu.memory_space<hbm>>
    tpu.enqueue_indirect_dma source(%dma_start3A_60 : memref<655360xf32, #tpu.memory_space<hbm>>) target(%dma_start3A_55 : memref<128xf32, #tpu.memory_space<vmem>>) offsets(%dma_start3A_58 : memref<128xi32, #tpu.memory_space<vmem>>) semaphore(%arg10 : memref<!tpu.dma_semaphore, #tpu.memory_space<semaphore_mem>>)
    %scan3A_61 = arith.constant 0 : i32
    %scan3A_62 = arith.constant 0 : i32
    %scan3A_63 = arith.constant 8 : i32
    %scan3A_64 = arith.addi %scan3A_62, %scan3A_63 : i32
    %scan3A_65 = arith.constant 1 : i32
    %scan3A_66 = scf.for %scan3A_230 = %scan3A_62 to %scan3A_64 step %scan3A_65 iter_args(%scan3A_231 = %scan3A_61) -> (i32)  : i32 {
      %mul3A_232 = arith.constant 16 : i32
      %mul3A_233 = arith.muli %scan3A_230, %mul3A_232 : i32
      %add3A_234 = arith.constant 512 : i32
      %add3A_235 = arith.addi %add3A_234, %mul3A_233 : i32
      %add3A_236 = vector.broadcast %add3A_235 : i32 to vector<16xi32>
      %add3A_237 = arith.addi %iota3A, %add3A_236 : vector<16xi32>
      %add3A_238 = vector.broadcast %mul3A_2 : i32 to vector<16xi32>
      %add3A_239 = arith.addi %add3A_237, %add3A_238 : vector<16xi32>
      %shift_right_arithmetic3A = arith.constant 6 : i32
      %shift_right_arithmetic3A_240 = vector.broadcast %shift_right_arithmetic3A : i32 to vector<16xi32>
      %shift_right_arithmetic3A_241 = arith.shrsi %add3A_239, %shift_right_arithmetic3A_240 : vector<16xi32>
      %and3A = arith.constant 63 : i32
      %and3A_242 = vector.broadcast %and3A : i32 to vector<16xi32>
      %and3A_243 = arith.andi %add3A_239, %and3A_242 : vector<16xi32>
      %gather3A = tpu.vector_load_idx %arg7[%shift_right_arithmetic3A_241] : memref<320xi32, #tpu.memory_space<vmem>>[vector<16xi32>], vector<16xi32>,
      %get3A = arith.index_cast %add3A_235 : i32 to index
      %get3A_244 = tpu.vector_load %arg6[%get3A] {strides = array<i32>} : memref<1280xi32, #tpu.memory_space<vmem>>, vector<16xi32>,
      %mul3A_245 = arith.constant 1280 : i32
      %mul3A_246 = vector.broadcast %mul3A_245 : i32 to vector<16xi32>
      %mul3A_247 = arith.muli %get3A_244, %mul3A_246 : vector<16xi32>
      %mul3A_248 = arith.constant 64 : i32
      %mul3A_249 = vector.broadcast %mul3A_248 : i32 to vector<16xi32>
      %mul3A_250 = arith.muli %gather3A, %mul3A_249 : vector<16xi32>
      %add3A_251 = arith.addi %mul3A_247, %mul3A_250 : vector<16xi32>
      %add3A_252 = arith.addi %add3A_251, %and3A_243 : vector<16xi32>
      %mul3A_253 = arith.constant 16 : i32
      %mul3A_254 = arith.muli %scan3A_230, %mul3A_253 : i32
      %swap3A = arith.constant 4 : i32
      %swap3A_255 = arith.index_cast %swap3A : i32 to index
      %swap3A_256 = arith.index_cast %mul3A_254 : i32 to index
      %swap3A_257 = tpu.vector_load %arg8[%swap3A_255, %swap3A_256] {strides = array<i32>} : memref<10x128xi32, #tpu.memory_space<vmem>>, vector<16xi32>,
      tpu.vector_store %arg8[%swap3A_255, %swap3A_256], %add3A_252 {strides = array<i32>} : memref<10x128xi32, #tpu.memory_space<vmem>>, vector<16xi32>,
      %scan3A_258 = arith.constant 0 : i32
      scf.yield %scan3A_258 : i32
    }
    %scan3A_67 = arith.constant 8 : i32
    %dma_start3A_68 = arith.constant 4 : i32
    %dma_start3A_69 = arith.constant 512 : i32
    %dma_start3A_70 = tpu.memref_slice %arg9[%dma_start3A_69] : memref<1280xf32, #tpu.memory_space<vmem>> -> memref<128xf32, #tpu.memory_space<vmem>>
    %dma_start3A_71 = arith.constant 0 : i32
    %dma_start3A_72 = tpu.memref_slice %arg8[%dma_start3A_68, %dma_start3A_71] : memref<10x128xi32, #tpu.memory_space<vmem>> -> memref<1x128xi32, #tpu.memory_space<vmem>>
    %dma_start3A_73 = tpu.memref_squeeze %dma_start3A_72 : memref<1x128xi32, #tpu.memory_space<vmem>> -> memref<128xi32, #tpu.memory_space<vmem>>
    %dma_start3A_74 = arith.constant 0 : i32
    %dma_start3A_75 = tpu.memref_slice %arg2[%dma_start3A_74] : memref<655360xf32, #tpu.memory_space<hbm>> -> memref<655360xf32, #tpu.memory_space<hbm>>
    tpu.enqueue_indirect_dma source(%dma_start3A_75 : memref<655360xf32, #tpu.memory_space<hbm>>) target(%dma_start3A_70 : memref<128xf32, #tpu.memory_space<vmem>>) offsets(%dma_start3A_73 : memref<128xi32, #tpu.memory_space<vmem>>) semaphore(%arg10 : memref<!tpu.dma_semaphore, #tpu.memory_space<semaphore_mem>>)
    %scan3A_76 = arith.constant 0 : i32
    %scan3A_77 = arith.constant 0 : i32
    %scan3A_78 = arith.constant 8 : i32
    %scan3A_79 = arith.addi %scan3A_77, %scan3A_78 : i32
    %scan3A_80 = arith.constant 1 : i32
    %scan3A_81 = scf.for %scan3A_230 = %scan3A_77 to %scan3A_79 step %scan3A_80 iter_args(%scan3A_231 = %scan3A_76) -> (i32)  : i32 {
      %mul3A_232 = arith.constant 16 : i32
      %mul3A_233 = arith.muli %scan3A_230, %mul3A_232 : i32
      %add3A_234 = arith.constant 640 : i32
      %add3A_235 = arith.addi %add3A_234, %mul3A_233 : i32
      %add3A_236 = vector.broadcast %add3A_235 : i32 to vector<16xi32>
      %add3A_237 = arith.addi %iota3A, %add3A_236 : vector<16xi32>
      %add3A_238 = vector.broadcast %mul3A_2 : i32 to vector<16xi32>
      %add3A_239 = arith.addi %add3A_237, %add3A_238 : vector<16xi32>
      %shift_right_arithmetic3A = arith.constant 6 : i32
      %shift_right_arithmetic3A_240 = vector.broadcast %shift_right_arithmetic3A : i32 to vector<16xi32>
      %shift_right_arithmetic3A_241 = arith.shrsi %add3A_239, %shift_right_arithmetic3A_240 : vector<16xi32>
      %and3A = arith.constant 63 : i32
      %and3A_242 = vector.broadcast %and3A : i32 to vector<16xi32>
      %and3A_243 = arith.andi %add3A_239, %and3A_242 : vector<16xi32>
      %gather3A = tpu.vector_load_idx %arg7[%shift_right_arithmetic3A_241] : memref<320xi32, #tpu.memory_space<vmem>>[vector<16xi32>], vector<16xi32>,
      %get3A = arith.index_cast %add3A_235 : i32 to index
      %get3A_244 = tpu.vector_load %arg6[%get3A] {strides = array<i32>} : memref<1280xi32, #tpu.memory_space<vmem>>, vector<16xi32>,
      %mul3A_245 = arith.constant 1280 : i32
      %mul3A_246 = vector.broadcast %mul3A_245 : i32 to vector<16xi32>
      %mul3A_247 = arith.muli %get3A_244, %mul3A_246 : vector<16xi32>
      %mul3A_248 = arith.constant 64 : i32
      %mul3A_249 = vector.broadcast %mul3A_248 : i32 to vector<16xi32>
      %mul3A_250 = arith.muli %gather3A, %mul3A_249 : vector<16xi32>
      %add3A_251 = arith.addi %mul3A_247, %mul3A_250 : vector<16xi32>
      %add3A_252 = arith.addi %add3A_251, %and3A_243 : vector<16xi32>
      %mul3A_253 = arith.constant 16 : i32
      %mul3A_254 = arith.muli %scan3A_230, %mul3A_253 : i32
      %swap3A = arith.constant 5 : i32
      %swap3A_255 = arith.index_cast %swap3A : i32 to index
      %swap3A_256 = arith.index_cast %mul3A_254 : i32 to index
      %swap3A_257 = tpu.vector_load %arg8[%swap3A_255, %swap3A_256] {strides = array<i32>} : memref<10x128xi32, #tpu.memory_space<vmem>>, vector<16xi32>,
      tpu.vector_store %arg8[%swap3A_255, %swap3A_256], %add3A_252 {strides = array<i32>} : memref<10x128xi32, #tpu.memory_space<vmem>>, vector<16xi32>,
      %scan3A_258 = arith.constant 0 : i32
      scf.yield %scan3A_258 : i32
    }
    %scan3A_82 = arith.constant 8 : i32
    %dma_start3A_83 = arith.constant 5 : i32
    %dma_start3A_84 = arith.constant 640 : i32
    %dma_start3A_85 = tpu.memref_slice %arg9[%dma_start3A_84] : memref<1280xf32, #tpu.memory_space<vmem>> -> memref<128xf32, #tpu.memory_space<vmem>>
    %dma_start3A_86 = arith.constant 0 : i32
    %dma_start3A_87 = tpu.memref_slice %arg8[%dma_start3A_83, %dma_start3A_86] : memref<10x128xi32, #tpu.memory_space<vmem>> -> memref<1x128xi32, #tpu.memory_space<vmem>>
    %dma_start3A_88 = tpu.memref_squeeze %dma_start3A_87 : memref<1x128xi32, #tpu.memory_space<vmem>> -> memref<128xi32, #tpu.memory_space<vmem>>
    %dma_start3A_89 = arith.constant 0 : i32
    %dma_start3A_90 = tpu.memref_slice %arg2[%dma_start3A_89] : memref<655360xf32, #tpu.memory_space<hbm>> -> memref<655360xf32, #tpu.memory_space<hbm>>
    tpu.enqueue_indirect_dma source(%dma_start3A_90 : memref<655360xf32, #tpu.memory_space<hbm>>) target(%dma_start3A_85 : memref<128xf32, #tpu.memory_space<vmem>>) offsets(%dma_start3A_88 : memref<128xi32, #tpu.memory_space<vmem>>) semaphore(%arg10 : memref<!tpu.dma_semaphore, #tpu.memory_space<semaphore_mem>>)
    %scan3A_91 = arith.constant 0 : i32
    %scan3A_92 = arith.constant 0 : i32
    %scan3A_93 = arith.constant 8 : i32
    %scan3A_94 = arith.addi %scan3A_92, %scan3A_93 : i32
    %scan3A_95 = arith.constant 1 : i32
    %scan3A_96 = scf.for %scan3A_230 = %scan3A_92 to %scan3A_94 step %scan3A_95 iter_args(%scan3A_231 = %scan3A_91) -> (i32)  : i32 {
      %mul3A_232 = arith.constant 16 : i32
      %mul3A_233 = arith.muli %scan3A_230, %mul3A_232 : i32
      %add3A_234 = arith.constant 768 : i32
      %add3A_235 = arith.addi %add3A_234, %mul3A_233 : i32
      %add3A_236 = vector.broadcast %add3A_235 : i32 to vector<16xi32>
      %add3A_237 = arith.addi %iota3A, %add3A_236 : vector<16xi32>
      %add3A_238 = vector.broadcast %mul3A_2 : i32 to vector<16xi32>
      %add3A_239 = arith.addi %add3A_237, %add3A_238 : vector<16xi32>
      %shift_right_arithmetic3A = arith.constant 6 : i32
      %shift_right_arithmetic3A_240 = vector.broadcast %shift_right_arithmetic3A : i32 to vector<16xi32>
      %shift_right_arithmetic3A_241 = arith.shrsi %add3A_239, %shift_right_arithmetic3A_240 : vector<16xi32>
      %and3A = arith.constant 63 : i32
      %and3A_242 = vector.broadcast %and3A : i32 to vector<16xi32>
      %and3A_243 = arith.andi %add3A_239, %and3A_242 : vector<16xi32>
      %gather3A = tpu.vector_load_idx %arg7[%shift_right_arithmetic3A_241] : memref<320xi32, #tpu.memory_space<vmem>>[vector<16xi32>], vector<16xi32>,
      %get3A = arith.index_cast %add3A_235 : i32 to index
      %get3A_244 = tpu.vector_load %arg6[%get3A] {strides = array<i32>} : memref<1280xi32, #tpu.memory_space<vmem>>, vector<16xi32>,
      %mul3A_245 = arith.constant 1280 : i32
      %mul3A_246 = vector.broadcast %mul3A_245 : i32 to vector<16xi32>
      %mul3A_247 = arith.muli %get3A_244, %mul3A_246 : vector<16xi32>
      %mul3A_248 = arith.constant 64 : i32
      %mul3A_249 = vector.broadcast %mul3A_248 : i32 to vector<16xi32>
      %mul3A_250 = arith.muli %gather3A, %mul3A_249 : vector<16xi32>
      %add3A_251 = arith.addi %mul3A_247, %mul3A_250 : vector<16xi32>
      %add3A_252 = arith.addi %add3A_251, %and3A_243 : vector<16xi32>
      %mul3A_253 = arith.constant 16 : i32
      %mul3A_254 = arith.muli %scan3A_230, %mul3A_253 : i32
      %swap3A = arith.constant 6 : i32
      %swap3A_255 = arith.index_cast %swap3A : i32 to index
      %swap3A_256 = arith.index_cast %mul3A_254 : i32 to index
      %swap3A_257 = tpu.vector_load %arg8[%swap3A_255, %swap3A_256] {strides = array<i32>} : memref<10x128xi32, #tpu.memory_space<vmem>>, vector<16xi32>,
      tpu.vector_store %arg8[%swap3A_255, %swap3A_256], %add3A_252 {strides = array<i32>} : memref<10x128xi32, #tpu.memory_space<vmem>>, vector<16xi32>,
      %scan3A_258 = arith.constant 0 : i32
      scf.yield %scan3A_258 : i32
    }
    %scan3A_97 = arith.constant 8 : i32
    %dma_start3A_98 = arith.constant 6 : i32
    %dma_start3A_99 = arith.constant 768 : i32
    %dma_start3A_100 = tpu.memref_slice %arg9[%dma_start3A_99] : memref<1280xf32, #tpu.memory_space<vmem>> -> memref<128xf32, #tpu.memory_space<vmem>>
    %dma_start3A_101 = arith.constant 0 : i32
    %dma_start3A_102 = tpu.memref_slice %arg8[%dma_start3A_98, %dma_start3A_101] : memref<10x128xi32, #tpu.memory_space<vmem>> -> memref<1x128xi32, #tpu.memory_space<vmem>>
    %dma_start3A_103 = tpu.memref_squeeze %dma_start3A_102 : memref<1x128xi32, #tpu.memory_space<vmem>> -> memref<128xi32, #tpu.memory_space<vmem>>
    %dma_start3A_104 = arith.constant 0 : i32
    %dma_start3A_105 = tpu.memref_slice %arg2[%dma_start3A_104] : memref<655360xf32, #tpu.memory_space<hbm>> -> memref<655360xf32, #tpu.memory_space<hbm>>
    tpu.enqueue_indirect_dma source(%dma_start3A_105 : memref<655360xf32, #tpu.memory_space<hbm>>) target(%dma_start3A_100 : memref<128xf32, #tpu.memory_space<vmem>>) offsets(%dma_start3A_103 : memref<128xi32, #tpu.memory_space<vmem>>) semaphore(%arg10 : memref<!tpu.dma_semaphore, #tpu.memory_space<semaphore_mem>>)
    %scan3A_106 = arith.constant 0 : i32
    %scan3A_107 = arith.constant 0 : i32
    %scan3A_108 = arith.constant 8 : i32
    %scan3A_109 = arith.addi %scan3A_107, %scan3A_108 : i32
    %scan3A_110 = arith.constant 1 : i32
    %scan3A_111 = scf.for %scan3A_230 = %scan3A_107 to %scan3A_109 step %scan3A_110 iter_args(%scan3A_231 = %scan3A_106) -> (i32)  : i32 {
      %mul3A_232 = arith.constant 16 : i32
      %mul3A_233 = arith.muli %scan3A_230, %mul3A_232 : i32
      %add3A_234 = arith.constant 896 : i32
      %add3A_235 = arith.addi %add3A_234, %mul3A_233 : i32
      %add3A_236 = vector.broadcast %add3A_235 : i32 to vector<16xi32>
      %add3A_237 = arith.addi %iota3A, %add3A_236 : vector<16xi32>
      %add3A_238 = vector.broadcast %mul3A_2 : i32 to vector<16xi32>
      %add3A_239 = arith.addi %add3A_237, %add3A_238 : vector<16xi32>
      %shift_right_arithmetic3A = arith.constant 6 : i32
      %shift_right_arithmetic3A_240 = vector.broadcast %shift_right_arithmetic3A : i32 to vector<16xi32>
      %shift_right_arithmetic3A_241 = arith.shrsi %add3A_239, %shift_right_arithmetic3A_240 : vector<16xi32>
      %and3A = arith.constant 63 : i32
      %and3A_242 = vector.broadcast %and3A : i32 to vector<16xi32>
      %and3A_243 = arith.andi %add3A_239, %and3A_242 : vector<16xi32>
      %gather3A = tpu.vector_load_idx %arg7[%shift_right_arithmetic3A_241] : memref<320xi32, #tpu.memory_space<vmem>>[vector<16xi32>], vector<16xi32>,
      %get3A = arith.index_cast %add3A_235 : i32 to index
      %get3A_244 = tpu.vector_load %arg6[%get3A] {strides = array<i32>} : memref<1280xi32, #tpu.memory_space<vmem>>, vector<16xi32>,
      %mul3A_245 = arith.constant 1280 : i32
      %mul3A_246 = vector.broadcast %mul3A_245 : i32 to vector<16xi32>
      %mul3A_247 = arith.muli %get3A_244, %mul3A_246 : vector<16xi32>
      %mul3A_248 = arith.constant 64 : i32
      %mul3A_249 = vector.broadcast %mul3A_248 : i32 to vector<16xi32>
      %mul3A_250 = arith.muli %gather3A, %mul3A_249 : vector<16xi32>
      %add3A_251 = arith.addi %mul3A_247, %mul3A_250 : vector<16xi32>
      %add3A_252 = arith.addi %add3A_251, %and3A_243 : vector<16xi32>
      %mul3A_253 = arith.constant 16 : i32
      %mul3A_254 = arith.muli %scan3A_230, %mul3A_253 : i32
      %swap3A = arith.constant 7 : i32
      %swap3A_255 = arith.index_cast %swap3A : i32 to index
      %swap3A_256 = arith.index_cast %mul3A_254 : i32 to index
      %swap3A_257 = tpu.vector_load %arg8[%swap3A_255, %swap3A_256] {strides = array<i32>} : memref<10x128xi32, #tpu.memory_space<vmem>>, vector<16xi32>,
      tpu.vector_store %arg8[%swap3A_255, %swap3A_256], %add3A_252 {strides = array<i32>} : memref<10x128xi32, #tpu.memory_space<vmem>>, vector<16xi32>,
      %scan3A_258 = arith.constant 0 : i32
      scf.yield %scan3A_258 : i32
    }
    %scan3A_112 = arith.constant 8 : i32
    %dma_start3A_113 = arith.constant 7 : i32
    %dma_start3A_114 = arith.constant 896 : i32
    %dma_start3A_115 = tpu.memref_slice %arg9[%dma_start3A_114] : memref<1280xf32, #tpu.memory_space<vmem>> -> memref<128xf32, #tpu.memory_space<vmem>>
    %dma_start3A_116 = arith.constant 0 : i32
    %dma_start3A_117 = tpu.memref_slice %arg8[%dma_start3A_113, %dma_start3A_116] : memref<10x128xi32, #tpu.memory_space<vmem>> -> memref<1x128xi32, #tpu.memory_space<vmem>>
    %dma_start3A_118 = tpu.memref_squeeze %dma_start3A_117 : memref<1x128xi32, #tpu.memory_space<vmem>> -> memref<128xi32, #tpu.memory_space<vmem>>
    %dma_start3A_119 = arith.constant 0 : i32
    %dma_start3A_120 = tpu.memref_slice %arg2[%dma_start3A_119] : memref<655360xf32, #tpu.memory_space<hbm>> -> memref<655360xf32, #tpu.memory_space<hbm>>
    tpu.enqueue_indirect_dma source(%dma_start3A_120 : memref<655360xf32, #tpu.memory_space<hbm>>) target(%dma_start3A_115 : memref<128xf32, #tpu.memory_space<vmem>>) offsets(%dma_start3A_118 : memref<128xi32, #tpu.memory_space<vmem>>) semaphore(%arg10 : memref<!tpu.dma_semaphore, #tpu.memory_space<semaphore_mem>>)
    %scan3A_121 = arith.constant 0 : i32
    %scan3A_122 = arith.constant 0 : i32
    %scan3A_123 = arith.constant 8 : i32
    %scan3A_124 = arith.addi %scan3A_122, %scan3A_123 : i32
    %scan3A_125 = arith.constant 1 : i32
    %scan3A_126 = scf.for %scan3A_230 = %scan3A_122 to %scan3A_124 step %scan3A_125 iter_args(%scan3A_231 = %scan3A_121) -> (i32)  : i32 {
      %mul3A_232 = arith.constant 16 : i32
      %mul3A_233 = arith.muli %scan3A_230, %mul3A_232 : i32
      %add3A_234 = arith.constant 1024 : i32
      %add3A_235 = arith.addi %add3A_234, %mul3A_233 : i32
      %add3A_236 = vector.broadcast %add3A_235 : i32 to vector<16xi32>
      %add3A_237 = arith.addi %iota3A, %add3A_236 : vector<16xi32>
      %add3A_238 = vector.broadcast %mul3A_2 : i32 to vector<16xi32>
      %add3A_239 = arith.addi %add3A_237, %add3A_238 : vector<16xi32>
      %shift_right_arithmetic3A = arith.constant 6 : i32
      %shift_right_arithmetic3A_240 = vector.broadcast %shift_right_arithmetic3A : i32 to vector<16xi32>
      %shift_right_arithmetic3A_241 = arith.shrsi %add3A_239, %shift_right_arithmetic3A_240 : vector<16xi32>
      %and3A = arith.constant 63 : i32
      %and3A_242 = vector.broadcast %and3A : i32 to vector<16xi32>
      %and3A_243 = arith.andi %add3A_239, %and3A_242 : vector<16xi32>
      %gather3A = tpu.vector_load_idx %arg7[%shift_right_arithmetic3A_241] : memref<320xi32, #tpu.memory_space<vmem>>[vector<16xi32>], vector<16xi32>,
      %get3A = arith.index_cast %add3A_235 : i32 to index
      %get3A_244 = tpu.vector_load %arg6[%get3A] {strides = array<i32>} : memref<1280xi32, #tpu.memory_space<vmem>>, vector<16xi32>,
      %mul3A_245 = arith.constant 1280 : i32
      %mul3A_246 = vector.broadcast %mul3A_245 : i32 to vector<16xi32>
      %mul3A_247 = arith.muli %get3A_244, %mul3A_246 : vector<16xi32>
      %mul3A_248 = arith.constant 64 : i32
      %mul3A_249 = vector.broadcast %mul3A_248 : i32 to vector<16xi32>
      %mul3A_250 = arith.muli %gather3A, %mul3A_249 : vector<16xi32>
      %add3A_251 = arith.addi %mul3A_247, %mul3A_250 : vector<16xi32>
      %add3A_252 = arith.addi %add3A_251, %and3A_243 : vector<16xi32>
      %mul3A_253 = arith.constant 16 : i32
      %mul3A_254 = arith.muli %scan3A_230, %mul3A_253 : i32
      %swap3A = arith.constant 8 : i32
      %swap3A_255 = arith.index_cast %swap3A : i32 to index
      %swap3A_256 = arith.index_cast %mul3A_254 : i32 to index
      %swap3A_257 = tpu.vector_load %arg8[%swap3A_255, %swap3A_256] {strides = array<i32>} : memref<10x128xi32, #tpu.memory_space<vmem>>, vector<16xi32>,
      tpu.vector_store %arg8[%swap3A_255, %swap3A_256], %add3A_252 {strides = array<i32>} : memref<10x128xi32, #tpu.memory_space<vmem>>, vector<16xi32>,
      %scan3A_258 = arith.constant 0 : i32
      scf.yield %scan3A_258 : i32
    }
    %scan3A_127 = arith.constant 8 : i32
    %dma_start3A_128 = arith.constant 8 : i32
    %dma_start3A_129 = arith.constant 1024 : i32
    %dma_start3A_130 = tpu.memref_slice %arg9[%dma_start3A_129] : memref<1280xf32, #tpu.memory_space<vmem>> -> memref<128xf32, #tpu.memory_space<vmem>>
    %dma_start3A_131 = arith.constant 0 : i32
    %dma_start3A_132 = tpu.memref_slice %arg8[%dma_start3A_128, %dma_start3A_131] : memref<10x128xi32, #tpu.memory_space<vmem>> -> memref<1x128xi32, #tpu.memory_space<vmem>>
    %dma_start3A_133 = tpu.memref_squeeze %dma_start3A_132 : memref<1x128xi32, #tpu.memory_space<vmem>> -> memref<128xi32, #tpu.memory_space<vmem>>
    %dma_start3A_134 = arith.constant 0 : i32
    %dma_start3A_135 = tpu.memref_slice %arg2[%dma_start3A_134] : memref<655360xf32, #tpu.memory_space<hbm>> -> memref<655360xf32, #tpu.memory_space<hbm>>
    tpu.enqueue_indirect_dma source(%dma_start3A_135 : memref<655360xf32, #tpu.memory_space<hbm>>) target(%dma_start3A_130 : memref<128xf32, #tpu.memory_space<vmem>>) offsets(%dma_start3A_133 : memref<128xi32, #tpu.memory_space<vmem>>) semaphore(%arg10 : memref<!tpu.dma_semaphore, #tpu.memory_space<semaphore_mem>>)
    %scan3A_136 = arith.constant 0 : i32
    %scan3A_137 = arith.constant 0 : i32
    %scan3A_138 = arith.constant 8 : i32
    %scan3A_139 = arith.addi %scan3A_137, %scan3A_138 : i32
    %scan3A_140 = arith.constant 1 : i32
    %scan3A_141 = scf.for %scan3A_230 = %scan3A_137 to %scan3A_139 step %scan3A_140 iter_args(%scan3A_231 = %scan3A_136) -> (i32)  : i32 {
      %mul3A_232 = arith.constant 16 : i32
      %mul3A_233 = arith.muli %scan3A_230, %mul3A_232 : i32
      %add3A_234 = arith.constant 1152 : i32
      %add3A_235 = arith.addi %add3A_234, %mul3A_233 : i32
      %add3A_236 = vector.broadcast %add3A_235 : i32 to vector<16xi32>
      %add3A_237 = arith.addi %iota3A, %add3A_236 : vector<16xi32>
      %add3A_238 = vector.broadcast %mul3A_2 : i32 to vector<16xi32>
      %add3A_239 = arith.addi %add3A_237, %add3A_238 : vector<16xi32>
      %shift_right_arithmetic3A = arith.constant 6 : i32
      %shift_right_arithmetic3A_240 = vector.broadcast %shift_right_arithmetic3A : i32 to vector<16xi32>
      %shift_right_arithmetic3A_241 = arith.shrsi %add3A_239, %shift_right_arithmetic3A_240 : vector<16xi32>
      %and3A = arith.constant 63 : i32
      %and3A_242 = vector.broadcast %and3A : i32 to vector<16xi32>
      %and3A_243 = arith.andi %add3A_239, %and3A_242 : vector<16xi32>
      %gather3A = tpu.vector_load_idx %arg7[%shift_right_arithmetic3A_241] : memref<320xi32, #tpu.memory_space<vmem>>[vector<16xi32>], vector<16xi32>,
      %get3A = arith.index_cast %add3A_235 : i32 to index
      %get3A_244 = tpu.vector_load %arg6[%get3A] {strides = array<i32>} : memref<1280xi32, #tpu.memory_space<vmem>>, vector<16xi32>,
      %mul3A_245 = arith.constant 1280 : i32
      %mul3A_246 = vector.broadcast %mul3A_245 : i32 to vector<16xi32>
      %mul3A_247 = arith.muli %get3A_244, %mul3A_246 : vector<16xi32>
      %mul3A_248 = arith.constant 64 : i32
      %mul3A_249 = vector.broadcast %mul3A_248 : i32 to vector<16xi32>
      %mul3A_250 = arith.muli %gather3A, %mul3A_249 : vector<16xi32>
      %add3A_251 = arith.addi %mul3A_247, %mul3A_250 : vector<16xi32>
      %add3A_252 = arith.addi %add3A_251, %and3A_243 : vector<16xi32>
      %mul3A_253 = arith.constant 16 : i32
      %mul3A_254 = arith.muli %scan3A_230, %mul3A_253 : i32
      %swap3A = arith.constant 9 : i32
      %swap3A_255 = arith.index_cast %swap3A : i32 to index
      %swap3A_256 = arith.index_cast %mul3A_254 : i32 to index
      %swap3A_257 = tpu.vector_load %arg8[%swap3A_255, %swap3A_256] {strides = array<i32>} : memref<10x128xi32, #tpu.memory_space<vmem>>, vector<16xi32>,
      tpu.vector_store %arg8[%swap3A_255, %swap3A_256], %add3A_252 {strides = array<i32>} : memref<10x128xi32, #tpu.memory_space<vmem>>, vector<16xi32>,
      %scan3A_258 = arith.constant 0 : i32
      scf.yield %scan3A_258 : i32
    }
    %scan3A_142 = arith.constant 8 : i32
    %dma_start3A_143 = arith.constant 9 : i32
    %dma_start3A_144 = arith.constant 1152 : i32
    %dma_start3A_145 = tpu.memref_slice %arg9[%dma_start3A_144] : memref<1280xf32, #tpu.memory_space<vmem>> -> memref<128xf32, #tpu.memory_space<vmem>>
    %dma_start3A_146 = arith.constant 0 : i32
    %dma_start3A_147 = tpu.memref_slice %arg8[%dma_start3A_143, %dma_start3A_146] : memref<10x128xi32, #tpu.memory_space<vmem>> -> memref<1x128xi32, #tpu.memory_space<vmem>>
    %dma_start3A_148 = tpu.memref_squeeze %dma_start3A_147 : memref<1x128xi32, #tpu.memory_space<vmem>> -> memref<128xi32, #tpu.memory_space<vmem>>
    %dma_start3A_149 = arith.constant 0 : i32
    %dma_start3A_150 = tpu.memref_slice %arg2[%dma_start3A_149] : memref<655360xf32, #tpu.memory_space<hbm>> -> memref<655360xf32, #tpu.memory_space<hbm>>
    tpu.enqueue_indirect_dma source(%dma_start3A_150 : memref<655360xf32, #tpu.memory_space<hbm>>) target(%dma_start3A_145 : memref<128xf32, #tpu.memory_space<vmem>>) offsets(%dma_start3A_148 : memref<128xi32, #tpu.memory_space<vmem>>) semaphore(%arg10 : memref<!tpu.dma_semaphore, #tpu.memory_space<semaphore_mem>>)
    %dma_wait3A = arith.constant 0 : i32
    %dma_wait3A_151 = arith.constant 0 : i32
    %dma_wait3A_152 = tpu.memref_slice %arg9[%dma_wait3A_151] : memref<1280xf32, #tpu.memory_space<vmem>> -> memref<128xf32, #tpu.memory_space<vmem>>
    %dma_wait3A_153 = arith.constant 0 : i32
    %dma_wait3A_154 = tpu.memref_slice %arg8[%dma_wait3A, %dma_wait3A_153] : memref<10x128xi32, #tpu.memory_space<vmem>> -> memref<1x128xi32, #tpu.memory_space<vmem>>
    %dma_wait3A_155 = tpu.memref_squeeze %dma_wait3A_154 : memref<1x128xi32, #tpu.memory_space<vmem>> -> memref<128xi32, #tpu.memory_space<vmem>>
    %dma_wait3A_156 = arith.constant 0 : i32
    %dma_wait3A_157 = tpu.memref_slice %arg2[%dma_wait3A_156] : memref<655360xf32, #tpu.memory_space<hbm>> -> memref<655360xf32, #tpu.memory_space<hbm>>
    tpu.wait_indirect_dma semaphore(%arg10 : memref<!tpu.dma_semaphore, #tpu.memory_space<semaphore_mem>>) src(%dma_wait3A_157 : memref<655360xf32, #tpu.memory_space<hbm>>) dst(%dma_wait3A_152 : memref<128xf32, #tpu.memory_space<vmem>>)
    %dma_wait3A_158 = arith.constant 1 : i32
    %dma_wait3A_159 = arith.constant 128 : i32
    %dma_wait3A_160 = tpu.memref_slice %arg9[%dma_wait3A_159] : memref<1280xf32, #tpu.memory_space<vmem>> -> memref<128xf32, #tpu.memory_space<vmem>>
    %dma_wait3A_161 = arith.constant 0 : i32
    %dma_wait3A_162 = tpu.memref_slice %arg8[%dma_wait3A_158, %dma_wait3A_161] : memref<10x128xi32, #tpu.memory_space<vmem>> -> memref<1x128xi32, #tpu.memory_space<vmem>>
    %dma_wait3A_163 = tpu.memref_squeeze %dma_wait3A_162 : memref<1x128xi32, #tpu.memory_space<vmem>> -> memref<128xi32, #tpu.memory_space<vmem>>
    %dma_wait3A_164 = arith.constant 0 : i32
    %dma_wait3A_165 = tpu.memref_slice %arg2[%dma_wait3A_164] : memref<655360xf32, #tpu.memory_space<hbm>> -> memref<655360xf32, #tpu.memory_space<hbm>>
    tpu.wait_indirect_dma semaphore(%arg10 : memref<!tpu.dma_semaphore, #tpu.memory_space<semaphore_mem>>) src(%dma_wait3A_165 : memref<655360xf32, #tpu.memory_space<hbm>>) dst(%dma_wait3A_160 : memref<128xf32, #tpu.memory_space<vmem>>)
    %dma_wait3A_166 = arith.constant 2 : i32
    %dma_wait3A_167 = arith.constant 256 : i32
    %dma_wait3A_168 = tpu.memref_slice %arg9[%dma_wait3A_167] : memref<1280xf32, #tpu.memory_space<vmem>> -> memref<128xf32, #tpu.memory_space<vmem>>
    %dma_wait3A_169 = arith.constant 0 : i32
    %dma_wait3A_170 = tpu.memref_slice %arg8[%dma_wait3A_166, %dma_wait3A_169] : memref<10x128xi32, #tpu.memory_space<vmem>> -> memref<1x128xi32, #tpu.memory_space<vmem>>
    %dma_wait3A_171 = tpu.memref_squeeze %dma_wait3A_170 : memref<1x128xi32, #tpu.memory_space<vmem>> -> memref<128xi32, #tpu.memory_space<vmem>>
    %dma_wait3A_172 = arith.constant 0 : i32
    %dma_wait3A_173 = tpu.memref_slice %arg2[%dma_wait3A_172] : memref<655360xf32, #tpu.memory_space<hbm>> -> memref<655360xf32, #tpu.memory_space<hbm>>
    tpu.wait_indirect_dma semaphore(%arg10 : memref<!tpu.dma_semaphore, #tpu.memory_space<semaphore_mem>>) src(%dma_wait3A_173 : memref<655360xf32, #tpu.memory_space<hbm>>) dst(%dma_wait3A_168 : memref<128xf32, #tpu.memory_space<vmem>>)
    %dma_wait3A_174 = arith.constant 3 : i32
    %dma_wait3A_175 = arith.constant 384 : i32
    %dma_wait3A_176 = tpu.memref_slice %arg9[%dma_wait3A_175] : memref<1280xf32, #tpu.memory_space<vmem>> -> memref<128xf32, #tpu.memory_space<vmem>>
    %dma_wait3A_177 = arith.constant 0 : i32
    %dma_wait3A_178 = tpu.memref_slice %arg8[%dma_wait3A_174, %dma_wait3A_177] : memref<10x128xi32, #tpu.memory_space<vmem>> -> memref<1x128xi32, #tpu.memory_space<vmem>>
    %dma_wait3A_179 = tpu.memref_squeeze %dma_wait3A_178 : memref<1x128xi32, #tpu.memory_space<vmem>> -> memref<128xi32, #tpu.memory_space<vmem>>
    %dma_wait3A_180 = arith.constant 0 : i32
    %dma_wait3A_181 = tpu.memref_slice %arg2[%dma_wait3A_180] : memref<655360xf32, #tpu.memory_space<hbm>> -> memref<655360xf32, #tpu.memory_space<hbm>>
    tpu.wait_indirect_dma semaphore(%arg10 : memref<!tpu.dma_semaphore, #tpu.memory_space<semaphore_mem>>) src(%dma_wait3A_181 : memref<655360xf32, #tpu.memory_space<hbm>>) dst(%dma_wait3A_176 : memref<128xf32, #tpu.memory_space<vmem>>)
    %dma_wait3A_182 = arith.constant 4 : i32
    %dma_wait3A_183 = arith.constant 512 : i32
    %dma_wait3A_184 = tpu.memref_slice %arg9[%dma_wait3A_183] : memref<1280xf32, #tpu.memory_space<vmem>> -> memref<128xf32, #tpu.memory_space<vmem>>
    %dma_wait3A_185 = arith.constant 0 : i32
    %dma_wait3A_186 = tpu.memref_slice %arg8[%dma_wait3A_182, %dma_wait3A_185] : memref<10x128xi32, #tpu.memory_space<vmem>> -> memref<1x128xi32, #tpu.memory_space<vmem>>
    %dma_wait3A_187 = tpu.memref_squeeze %dma_wait3A_186 : memref<1x128xi32, #tpu.memory_space<vmem>> -> memref<128xi32, #tpu.memory_space<vmem>>
    %dma_wait3A_188 = arith.constant 0 : i32
    %dma_wait3A_189 = tpu.memref_slice %arg2[%dma_wait3A_188] : memref<655360xf32, #tpu.memory_space<hbm>> -> memref<655360xf32, #tpu.memory_space<hbm>>
    tpu.wait_indirect_dma semaphore(%arg10 : memref<!tpu.dma_semaphore, #tpu.memory_space<semaphore_mem>>) src(%dma_wait3A_189 : memref<655360xf32, #tpu.memory_space<hbm>>) dst(%dma_wait3A_184 : memref<128xf32, #tpu.memory_space<vmem>>)
    %dma_wait3A_190 = arith.constant 5 : i32
    %dma_wait3A_191 = arith.constant 640 : i32
    %dma_wait3A_192 = tpu.memref_slice %arg9[%dma_wait3A_191] : memref<1280xf32, #tpu.memory_space<vmem>> -> memref<128xf32, #tpu.memory_space<vmem>>
    %dma_wait3A_193 = arith.constant 0 : i32
    %dma_wait3A_194 = tpu.memref_slice %arg8[%dma_wait3A_190, %dma_wait3A_193] : memref<10x128xi32, #tpu.memory_space<vmem>> -> memref<1x128xi32, #tpu.memory_space<vmem>>
    %dma_wait3A_195 = tpu.memref_squeeze %dma_wait3A_194 : memref<1x128xi32, #tpu.memory_space<vmem>> -> memref<128xi32, #tpu.memory_space<vmem>>
    %dma_wait3A_196 = arith.constant 0 : i32
    %dma_wait3A_197 = tpu.memref_slice %arg2[%dma_wait3A_196] : memref<655360xf32, #tpu.memory_space<hbm>> -> memref<655360xf32, #tpu.memory_space<hbm>>
    tpu.wait_indirect_dma semaphore(%arg10 : memref<!tpu.dma_semaphore, #tpu.memory_space<semaphore_mem>>) src(%dma_wait3A_197 : memref<655360xf32, #tpu.memory_space<hbm>>) dst(%dma_wait3A_192 : memref<128xf32, #tpu.memory_space<vmem>>)
    %dma_wait3A_198 = arith.constant 6 : i32
    %dma_wait3A_199 = arith.constant 768 : i32
    %dma_wait3A_200 = tpu.memref_slice %arg9[%dma_wait3A_199] : memref<1280xf32, #tpu.memory_space<vmem>> -> memref<128xf32, #tpu.memory_space<vmem>>
    %dma_wait3A_201 = arith.constant 0 : i32
    %dma_wait3A_202 = tpu.memref_slice %arg8[%dma_wait3A_198, %dma_wait3A_201] : memref<10x128xi32, #tpu.memory_space<vmem>> -> memref<1x128xi32, #tpu.memory_space<vmem>>
    %dma_wait3A_203 = tpu.memref_squeeze %dma_wait3A_202 : memref<1x128xi32, #tpu.memory_space<vmem>> -> memref<128xi32, #tpu.memory_space<vmem>>
    %dma_wait3A_204 = arith.constant 0 : i32
    %dma_wait3A_205 = tpu.memref_slice %arg2[%dma_wait3A_204] : memref<655360xf32, #tpu.memory_space<hbm>> -> memref<655360xf32, #tpu.memory_space<hbm>>
    tpu.wait_indirect_dma semaphore(%arg10 : memref<!tpu.dma_semaphore, #tpu.memory_space<semaphore_mem>>) src(%dma_wait3A_205 : memref<655360xf32, #tpu.memory_space<hbm>>) dst(%dma_wait3A_200 : memref<128xf32, #tpu.memory_space<vmem>>)
    %dma_wait3A_206 = arith.constant 7 : i32
    %dma_wait3A_207 = arith.constant 896 : i32
    %dma_wait3A_208 = tpu.memref_slice %arg9[%dma_wait3A_207] : memref<1280xf32, #tpu.memory_space<vmem>> -> memref<128xf32, #tpu.memory_space<vmem>>
    %dma_wait3A_209 = arith.constant 0 : i32
    %dma_wait3A_210 = tpu.memref_slice %arg8[%dma_wait3A_206, %dma_wait3A_209] : memref<10x128xi32, #tpu.memory_space<vmem>> -> memref<1x128xi32, #tpu.memory_space<vmem>>
    %dma_wait3A_211 = tpu.memref_squeeze %dma_wait3A_210 : memref<1x128xi32, #tpu.memory_space<vmem>> -> memref<128xi32, #tpu.memory_space<vmem>>
    %dma_wait3A_212 = arith.constant 0 : i32
    %dma_wait3A_213 = tpu.memref_slice %arg2[%dma_wait3A_212] : memref<655360xf32, #tpu.memory_space<hbm>> -> memref<655360xf32, #tpu.memory_space<hbm>>
    tpu.wait_indirect_dma semaphore(%arg10 : memref<!tpu.dma_semaphore, #tpu.memory_space<semaphore_mem>>) src(%dma_wait3A_213 : memref<655360xf32, #tpu.memory_space<hbm>>) dst(%dma_wait3A_208 : memref<128xf32, #tpu.memory_space<vmem>>)
    %dma_wait3A_214 = arith.constant 8 : i32
    %dma_wait3A_215 = arith.constant 1024 : i32
    %dma_wait3A_216 = tpu.memref_slice %arg9[%dma_wait3A_215] : memref<1280xf32, #tpu.memory_space<vmem>> -> memref<128xf32, #tpu.memory_space<vmem>>
    %dma_wait3A_217 = arith.constant 0 : i32
    %dma_wait3A_218 = tpu.memref_slice %arg8[%dma_wait3A_214, %dma_wait3A_217] : memref<10x128xi32, #tpu.memory_space<vmem>> -> memref<1x128xi32, #tpu.memory_space<vmem>>
    %dma_wait3A_219 = tpu.memref_squeeze %dma_wait3A_218 : memref<1x128xi32, #tpu.memory_space<vmem>> -> memref<128xi32, #tpu.memory_space<vmem>>
    %dma_wait3A_220 = arith.constant 0 : i32
    %dma_wait3A_221 = tpu.memref_slice %arg2[%dma_wait3A_220] : memref<655360xf32, #tpu.memory_space<hbm>> -> memref<655360xf32, #tpu.memory_space<hbm>>
    tpu.wait_indirect_dma semaphore(%arg10 : memref<!tpu.dma_semaphore, #tpu.memory_space<semaphore_mem>>) src(%dma_wait3A_221 : memref<655360xf32, #tpu.memory_space<hbm>>) dst(%dma_wait3A_216 : memref<128xf32, #tpu.memory_space<vmem>>)
    %dma_wait3A_222 = arith.constant 9 : i32
    %dma_wait3A_223 = arith.constant 1152 : i32
    %dma_wait3A_224 = tpu.memref_slice %arg9[%dma_wait3A_223] : memref<1280xf32, #tpu.memory_space<vmem>> -> memref<128xf32, #tpu.memory_space<vmem>>
    %dma_wait3A_225 = arith.constant 0 : i32
    %dma_wait3A_226 = tpu.memref_slice %arg8[%dma_wait3A_222, %dma_wait3A_225] : memref<10x128xi32, #tpu.memory_space<vmem>> -> memref<1x128xi32, #tpu.memory_space<vmem>>
    %dma_wait3A_227 = tpu.memref_squeeze %dma_wait3A_226 : memref<1x128xi32, #tpu.memory_space<vmem>> -> memref<128xi32, #tpu.memory_space<vmem>>
    %dma_wait3A_228 = arith.constant 0 : i32
    %dma_wait3A_229 = tpu.memref_slice %arg2[%dma_wait3A_228] : memref<655360xf32, #tpu.memory_space<hbm>> -> memref<655360xf32, #tpu.memory_space<hbm>>
    tpu.wait_indirect_dma semaphore(%arg10 : memref<!tpu.dma_semaphore, #tpu.memory_space<semaphore_mem>>) src(%dma_wait3A_229 : memref<655360xf32, #tpu.memory_space<hbm>>) dst(%dma_wait3A_224 : memref<128xf32, #tpu.memory_space<vmem>>)
    "tpu.region"() ({
      %run_scoped3A = tpu.sem_alloc : memref<!tpu.dma_semaphore, #tpu.memory_space<semaphore_mem>>
      %dma_start3A_230 = tpu.memref_slice %arg5[%mul3A_2] : memref<20480xf32, #tpu.memory_space<hbm>> -> memref<1280xf32, #tpu.memory_space<hbm>>
      %dma_start3A_231 = tpu.memref_slice %arg5[%mul3A_2] : memref<20480xf32, #tpu.memory_space<hbm>> -> memref<1280xf32, #tpu.memory_space<hbm>>
      tpu.enqueue_dma source(%arg9 : memref<1280xf32, #tpu.memory_space<vmem>>) target(%dma_start3A_231 : memref<1280xf32, #tpu.memory_space<hbm>>) target_semaphore(%run_scoped3A : memref<!tpu.dma_semaphore, #tpu.memory_space<semaphore_mem>>)
      %dma_wait3A_232 = tpu.memref_slice %arg5[%mul3A_2] : memref<20480xf32, #tpu.memory_space<hbm>> -> memref<1280xf32, #tpu.memory_space<hbm>>
      %dma_wait3A_233 = tpu.memref_slice %arg5[%mul3A_2] : memref<20480xf32, #tpu.memory_space<hbm>> -> memref<1280xf32, #tpu.memory_space<hbm>>
      tpu.wait_dma2 semaphore(%run_scoped3A : memref<!tpu.dma_semaphore, #tpu.memory_space<semaphore_mem>>) src(%arg9 : memref<1280xf32, #tpu.memory_space<vmem>>) dst(%dma_wait3A_233 : memref<1280xf32, #tpu.memory_space<hbm>>)
      tpu.yield
    }) : () -> ()
    return
  }
}

module attributes {stable_mosaic.version = 14 : i64} {
  func.func @_dense_body(%arg0: memref<512x4096xi16, #tpu.memory_space<any>>, %arg1: memref<4096x1280xbf16, #tpu.memory_space<any>>, %arg2: memref<512x1280xf32, #tpu.memory_space<any>>, %arg3: memref<512x4096xi16, #tpu.memory_space<vmem>>, %arg4: memref<4096x1280xbf16, #tpu.memory_space<vmem>>, %arg5: memref<512x1280xf32, #tpu.memory_space<vmem>>, %arg6: memref<!tpu.dma_semaphore, #tpu.memory_space<semaphore_mem>>, %arg7: memref<!tpu.dma_semaphore, #tpu.memory_space<semaphore_mem>>, %arg8: memref<!tpu.dma_semaphore, #tpu.memory_space<semaphore_mem>>) attributes {dimension_semantics = [], scalar_prefetch = 0 : i64, scratch_operands = 6 : i64, tpu.core_type = #tpu.core_type<tc>} {
    tpu.enqueue_dma source(%arg0 : memref<512x4096xi16, #tpu.memory_space<any>>) target(%arg3 : memref<512x4096xi16, #tpu.memory_space<vmem>>) target_semaphore(%arg6 : memref<!tpu.dma_semaphore, #tpu.memory_space<semaphore_mem>>)
    %dma_start3A = arith.constant 0 : i32
    %dma_start3A_0 = arith.constant 0 : i32
    %dma_start3A_1 = tpu.memref_slice %arg4[%dma_start3A, %dma_start3A_0] : memref<4096x1280xbf16, #tpu.memory_space<vmem>> -> memref<1024x1280xbf16, #tpu.memory_space<vmem>>
    %dma_start3A_2 = arith.constant 0 : i32
    %dma_start3A_3 = arith.constant 0 : i32
    %dma_start3A_4 = tpu.memref_slice %arg1[%dma_start3A_2, %dma_start3A_3] : memref<4096x1280xbf16, #tpu.memory_space<any>> -> memref<1024x1280xbf16, #tpu.memory_space<any>>
    tpu.enqueue_dma source(%dma_start3A_4 : memref<1024x1280xbf16, #tpu.memory_space<any>>) target(%dma_start3A_1 : memref<1024x1280xbf16, #tpu.memory_space<vmem>>) target_semaphore(%arg7 : memref<!tpu.dma_semaphore, #tpu.memory_space<semaphore_mem>>)
    %dma_start3A_5 = arith.constant 1024 : i32
    %dma_start3A_6 = arith.constant 0 : i32
    %dma_start3A_7 = tpu.memref_slice %arg4[%dma_start3A_5, %dma_start3A_6] : memref<4096x1280xbf16, #tpu.memory_space<vmem>> -> memref<1024x1280xbf16, #tpu.memory_space<vmem>>
    %dma_start3A_8 = arith.constant 1024 : i32
    %dma_start3A_9 = arith.constant 0 : i32
    %dma_start3A_10 = tpu.memref_slice %arg1[%dma_start3A_8, %dma_start3A_9] : memref<4096x1280xbf16, #tpu.memory_space<any>> -> memref<1024x1280xbf16, #tpu.memory_space<any>>
    tpu.enqueue_dma source(%dma_start3A_10 : memref<1024x1280xbf16, #tpu.memory_space<any>>) target(%dma_start3A_7 : memref<1024x1280xbf16, #tpu.memory_space<vmem>>) target_semaphore(%arg7 : memref<!tpu.dma_semaphore, #tpu.memory_space<semaphore_mem>>)
    %dma_start3A_11 = arith.constant 2048 : i32
    %dma_start3A_12 = arith.constant 0 : i32
    %dma_start3A_13 = tpu.memref_slice %arg4[%dma_start3A_11, %dma_start3A_12] : memref<4096x1280xbf16, #tpu.memory_space<vmem>> -> memref<1024x1280xbf16, #tpu.memory_space<vmem>>
    %dma_start3A_14 = arith.constant 2048 : i32
    %dma_start3A_15 = arith.constant 0 : i32
    %dma_start3A_16 = tpu.memref_slice %arg1[%dma_start3A_14, %dma_start3A_15] : memref<4096x1280xbf16, #tpu.memory_space<any>> -> memref<1024x1280xbf16, #tpu.memory_space<any>>
    tpu.enqueue_dma source(%dma_start3A_16 : memref<1024x1280xbf16, #tpu.memory_space<any>>) target(%dma_start3A_13 : memref<1024x1280xbf16, #tpu.memory_space<vmem>>) target_semaphore(%arg7 : memref<!tpu.dma_semaphore, #tpu.memory_space<semaphore_mem>>)
    %dma_start3A_17 = arith.constant 3072 : i32
    %dma_start3A_18 = arith.constant 0 : i32
    %dma_start3A_19 = tpu.memref_slice %arg4[%dma_start3A_17, %dma_start3A_18] : memref<4096x1280xbf16, #tpu.memory_space<vmem>> -> memref<1024x1280xbf16, #tpu.memory_space<vmem>>
    %dma_start3A_20 = arith.constant 3072 : i32
    %dma_start3A_21 = arith.constant 0 : i32
    %dma_start3A_22 = tpu.memref_slice %arg1[%dma_start3A_20, %dma_start3A_21] : memref<4096x1280xbf16, #tpu.memory_space<any>> -> memref<1024x1280xbf16, #tpu.memory_space<any>>
    tpu.enqueue_dma source(%dma_start3A_22 : memref<1024x1280xbf16, #tpu.memory_space<any>>) target(%dma_start3A_19 : memref<1024x1280xbf16, #tpu.memory_space<vmem>>) target_semaphore(%arg7 : memref<!tpu.dma_semaphore, #tpu.memory_space<semaphore_mem>>)
    tpu.wait_dma2 semaphore(%arg6 : memref<!tpu.dma_semaphore, #tpu.memory_space<semaphore_mem>>) src(%arg0 : memref<512x4096xi16, #tpu.memory_space<any>>) dst(%arg3 : memref<512x4096xi16, #tpu.memory_space<vmem>>)
    %dma_wait3A = arith.constant 0 : i32
    %dma_wait3A_23 = arith.constant 0 : i32
    %dma_wait3A_24 = tpu.memref_slice %arg4[%dma_wait3A, %dma_wait3A_23] : memref<4096x1280xbf16, #tpu.memory_space<vmem>> -> memref<1024x1280xbf16, #tpu.memory_space<vmem>>
    %dma_wait3A_25 = arith.constant 0 : i32
    %dma_wait3A_26 = arith.constant 0 : i32
    %dma_wait3A_27 = tpu.memref_slice %arg1[%dma_wait3A_25, %dma_wait3A_26] : memref<4096x1280xbf16, #tpu.memory_space<any>> -> memref<1024x1280xbf16, #tpu.memory_space<any>>
    tpu.wait_dma2 semaphore(%arg7 : memref<!tpu.dma_semaphore, #tpu.memory_space<semaphore_mem>>) src(%dma_wait3A_27 : memref<1024x1280xbf16, #tpu.memory_space<any>>) dst(%dma_wait3A_24 : memref<1024x1280xbf16, #tpu.memory_space<vmem>>)
    %dma_wait3A_28 = arith.constant 1024 : i32
    %dma_wait3A_29 = arith.constant 0 : i32
    %dma_wait3A_30 = tpu.memref_slice %arg4[%dma_wait3A_28, %dma_wait3A_29] : memref<4096x1280xbf16, #tpu.memory_space<vmem>> -> memref<1024x1280xbf16, #tpu.memory_space<vmem>>
    %dma_wait3A_31 = arith.constant 1024 : i32
    %dma_wait3A_32 = arith.constant 0 : i32
    %dma_wait3A_33 = tpu.memref_slice %arg1[%dma_wait3A_31, %dma_wait3A_32] : memref<4096x1280xbf16, #tpu.memory_space<any>> -> memref<1024x1280xbf16, #tpu.memory_space<any>>
    tpu.wait_dma2 semaphore(%arg7 : memref<!tpu.dma_semaphore, #tpu.memory_space<semaphore_mem>>) src(%dma_wait3A_33 : memref<1024x1280xbf16, #tpu.memory_space<any>>) dst(%dma_wait3A_30 : memref<1024x1280xbf16, #tpu.memory_space<vmem>>)
    %dma_wait3A_34 = arith.constant 2048 : i32
    %dma_wait3A_35 = arith.constant 0 : i32
    %dma_wait3A_36 = tpu.memref_slice %arg4[%dma_wait3A_34, %dma_wait3A_35] : memref<4096x1280xbf16, #tpu.memory_space<vmem>> -> memref<1024x1280xbf16, #tpu.memory_space<vmem>>
    %dma_wait3A_37 = arith.constant 2048 : i32
    %dma_wait3A_38 = arith.constant 0 : i32
    %dma_wait3A_39 = tpu.memref_slice %arg1[%dma_wait3A_37, %dma_wait3A_38] : memref<4096x1280xbf16, #tpu.memory_space<any>> -> memref<1024x1280xbf16, #tpu.memory_space<any>>
    tpu.wait_dma2 semaphore(%arg7 : memref<!tpu.dma_semaphore, #tpu.memory_space<semaphore_mem>>) src(%dma_wait3A_39 : memref<1024x1280xbf16, #tpu.memory_space<any>>) dst(%dma_wait3A_36 : memref<1024x1280xbf16, #tpu.memory_space<vmem>>)
    %dma_wait3A_40 = arith.constant 3072 : i32
    %dma_wait3A_41 = arith.constant 0 : i32
    %dma_wait3A_42 = tpu.memref_slice %arg4[%dma_wait3A_40, %dma_wait3A_41] : memref<4096x1280xbf16, #tpu.memory_space<vmem>> -> memref<1024x1280xbf16, #tpu.memory_space<vmem>>
    %dma_wait3A_43 = arith.constant 3072 : i32
    %dma_wait3A_44 = arith.constant 0 : i32
    %dma_wait3A_45 = tpu.memref_slice %arg1[%dma_wait3A_43, %dma_wait3A_44] : memref<4096x1280xbf16, #tpu.memory_space<any>> -> memref<1024x1280xbf16, #tpu.memory_space<any>>
    tpu.wait_dma2 semaphore(%arg7 : memref<!tpu.dma_semaphore, #tpu.memory_space<semaphore_mem>>) src(%dma_wait3A_45 : memref<1024x1280xbf16, #tpu.memory_space<any>>) dst(%dma_wait3A_42 : memref<1024x1280xbf16, #tpu.memory_space<vmem>>)
    %get3A = arith.constant 0 : index
    %get3A_46 = arith.constant 0 : index
    %get3A_47 = vector.load %arg3[%get3A, %get3A_46] : memref<512x4096xi16, #tpu.memory_space<vmem>>, vector<512x4096xi16>
    %convert_element_type3A = arith.extsi %get3A_47 : vector<512x4096xi16> to vector<512x4096xi32>
    %and3A = arith.constant 65535 : i32
    %and3A_48 = vector.broadcast %and3A : i32 to vector<512x4096xi32>
    %and3A_49 = arith.andi %convert_element_type3A, %and3A_48 : vector<512x4096xi32>
    %and3A_50 = arith.constant 32768 : i32
    %and3A_51 = vector.broadcast %and3A_50 : i32 to vector<512x4096xi32>
    %and3A_52 = arith.andi %and3A_49, %and3A_51 : vector<512x4096xi32>
    %and3A_53 = arith.constant 32767 : i32
    %and3A_54 = vector.broadcast %and3A_53 : i32 to vector<512x4096xi32>
    %and3A_55 = arith.andi %and3A_49, %and3A_54 : vector<512x4096xi32>
    %shift_right_arithmetic3A = arith.constant 3 : i32
    %shift_right_arithmetic3A_56 = vector.broadcast %shift_right_arithmetic3A : i32 to vector<512x4096xi32>
    %shift_right_arithmetic3A_57 = arith.shrsi %and3A_55, %shift_right_arithmetic3A_56 : vector<512x4096xi32>
    %add3A = arith.constant 14336 : i32
    %add3A_58 = vector.broadcast %add3A : i32 to vector<512x4096xi32>
    %add3A_59 = arith.addi %shift_right_arithmetic3A_57, %add3A_58 : vector<512x4096xi32>
    %and3A_60 = arith.constant 31744 : i32
    %and3A_61 = vector.broadcast %and3A_60 : i32 to vector<512x4096xi32>
    %and3A_62 = arith.andi %and3A_49, %and3A_61 : vector<512x4096xi32>
    %eq3A = arith.constant 0 : i32
    %eq3A_63 = vector.broadcast %eq3A : i32 to vector<512x4096xi32>
    %eq3A_64 = arith.cmpi eq, %and3A_62, %eq3A_63 : vector<512x4096xi32>
    %jit3A = arith.constant 0 : i32
    %broadcast_in_dim3A = vector.broadcast %jit3A : i32 to vector<512x4096xi32>
    %select_n3A = arith.select %eq3A_64, %broadcast_in_dim3A, %add3A_59 : vector<512x4096xi1>, vector<512x4096xi32>
    %or3A = arith.ori %and3A_52, %select_n3A : vector<512x4096xi32>
    %convert_element_type3A_65 = arith.trunci %or3A : vector<512x4096xi32> to vector<512x4096xi16>
    %bitcast_convert_type3A = tpu.bitcast %convert_element_type3A_65 : vector<512x4096xi16> -> vector<512x4096xbf16>
    %get3A_66 = arith.constant 0 : index
    %get3A_67 = arith.constant 0 : index
    %get3A_68 = vector.load %arg4[%get3A_66, %get3A_67] : memref<4096x1280xbf16, #tpu.memory_space<vmem>>, vector<4096x1280xbf16>
    %dot_general3A = arith.constant dense<0.000000e+00> : vector<512x1280xf32>
    %dot_general3A_69 = tpu.matmul %bitcast_convert_type3A, %get3A_68, %dot_general3A {dimension_numbers = #tpu.dot_dimension_numbers<[1], [0], [0], [1], [0, 0, 1, 1], [], []>, transpose_lhs_hint = false} : vector<512x4096xbf16>, vector<4096x1280xbf16>, vector<512x1280xf32> -> vector<512x1280xf32>
    %swap3A = arith.constant 0 : index
    %swap3A_70 = arith.constant 0 : index
    %swap3A_71 = vector.load %arg5[%swap3A, %swap3A_70] : memref<512x1280xf32, #tpu.memory_space<vmem>>, vector<512x1280xf32>
    tpu.vector_store %arg5[%swap3A, %swap3A_70], %dot_general3A_69 {strides = array<i32>} : memref<512x1280xf32, #tpu.memory_space<vmem>>, vector<512x1280xf32>,
    tpu.enqueue_dma source(%arg5 : memref<512x1280xf32, #tpu.memory_space<vmem>>) target(%arg2 : memref<512x1280xf32, #tpu.memory_space<any>>) target_semaphore(%arg8 : memref<!tpu.dma_semaphore, #tpu.memory_space<semaphore_mem>>)
    tpu.wait_dma2 semaphore(%arg8 : memref<!tpu.dma_semaphore, #tpu.memory_space<semaphore_mem>>) src(%arg5 : memref<512x1280xf32, #tpu.memory_space<vmem>>) dst(%arg2 : memref<512x1280xf32, #tpu.memory_space<any>>)
    return
  }
}

</mosaic_0001>

<sc_bundles>
// kernel: kernel.4.cloned.1.call-start
scs
__scs_entry_jumppad:
0x0: {  	(pc) =	sbr.rel $0x88, $3  }
0x1: {  	(tag) =	ssettag $0x0;
	lr =	simm.s32 $0x1  }
0x2: {  	[smem:$0x3F9D] =	sst lr;
	_ =	strace $0xD0000000  }
0x3: {  	_ = 	snop  }
0x4: {  	_ = 	snop  }
0x5: {  	_ = 	snop  }
0x6: {  	_ = 	snop  }
0x7: {  	_ = 	snop  }
__scs_overlays_trampoline_lowered:
0x8: {  	[smem:$0x3FAC] =	sst s0  }
0x9: {  	[smem:$0x3FAD] =	sst s1  }
0xa: {  	[smem:$0x3FAE] =	sst s2  }
0xb: {  	[smem:$0x3FAF] =	sst s3  }
0xc: {  	[smem:$0x3FB0] =	sst s4  }
0xd: {  	[smem:$0x3FB1] =	sst s5  }
0xe: {  	[smem:$0x3FB2] =	sst s6  }
0xf: {  	[smem:$0x3FB3] =	sst s7  }
0x10: {  	[smem:$0x3FB4] =	sst s8  }
0x11: {  	[smem:$0x3FB5] =	sst s9;
	s0 =	simm.s32 @!p0 $0x0  }
0x12: {  	s1 =	sld [smem:$0x3F9B];
	s0 =	simm.s32 @p0 $0x1  }
0x13: {  	[smem:$0x3FB6] =	sst s0;
	s0 =	simm.s32 @!p1 $0x0  }
0x14: {  	s2 =	sld [smem:$0x3F9A];
	s0 =	simm.s32 @p1 $0x1  }
0x15: {  	[smem:$0x3FB7] =	sst s0;
	s0 =	simm.s32 @!p2 $0x0  }
0x16: {  	s3 =	sld [smem:$0x3FDB];
	s0 =	simm.s32 @p2 $0x1  }
0x17: {  	s4 =	simm.s32 $0x1BF5;
	[smem:$0x3FB9] =	sst s0  }
0x18: {  	s0 =	sld [smem:$0x3F9C];
	_ =	swait.ge [sflag:s4], $0x0  }
0x19: {  	s7 =	sld [smem:$0x3F9D]  }
0x1a: {  	s8 =	sadd.s32 $0xFFFFE003, lr  }
0x1b: {  	s9 =	sadd.s32 $0xFFFFFEF7, lr;
	s5 =	simm.s32 $0xFFFFFFFF;
	p2 =	slt.u32 s8, $0xFFFFF086  }
0x1c: {  	p1 =	slt.u32 s9, $0xF7A;
	s5 =	simm.s32 @!p2 $0x0  }
0x1d: {  	s5 =	simm.s32 @p1 $0x1;
	p0 =	seq.s32 s7, s2  }
0x1e: {  	s7 =	smul.u32 @!p0 $0xF7A, s2;
	p2 =	seq.s32 @!p0 s5, $0x0  }
0x1f: {  	s9 =	smul.u32 $0xF7A, s1;
	s8 =	simm.s32 @!p0 $0x1BF5;
	p2 =	por !p2, p0  }
0x20: {  	[sflag:s8] =	ssyncset.s32 @!p0 $0xFFFFF086;
	s6 =	sadd.s32 @!p0 s3, s7;
	s7 =	simm.s32 @!p0 $0x108  }
0x21: {  	s3 =	sadd.s32 s3, s9;
	s6 =	sadd.s32 @!p0 $0x88, s6;
	s7 =	simm.s32 @p2 $0x1082  }
0x22: {  	[simem:s7], [sflag:s8] =	dma.local @!p0 [hbm:s6], $0xF7A  }
0x23: {  	s9 =	sor.u32 $0xD0000000, s2;
	s6 =	simm.s32 $0x108;
	_ =	swait.ge @!p0 [sflag:s8], $0x0  }
0x24: {  	s3 =	sadd.s32 $0x88, s3;
	s6 =	simm.s32 @!p1 $0x1082;
	[sflag:s4] =	ssyncset.s32 $0xFFFFF086  }
0x25: {  	[simem:s6], [sflag:s4] =	dma.local [hbm:s3], $0xF7A  }
0x26: {  	[smem:$0x3F9D] =	sst s1;
	(tag) =	ssettag s2;
	_ =	strace s9  }
0x27: {  	s1 =	sld [smem:$0x3FAD]  }
0x28: {  	s2 =	sld [smem:$0x3FAE]  }
0x29: {  	s4 =	sld [smem:$0x3FB0]  }
0x2a: {  	p0 =	seq.s32 s5, $0x0;
	s5 =	sld [smem:$0x3FB1]  }
0x2b: {  	s6 =	sld [smem:$0x3FB2]  }
0x2c: {  	s7 =	sld [smem:$0x3FB3]  }
0x2d: {  	s3 =	simm.s32 $0x108;
	s8 =	sld [smem:$0x3FB4]  }
0x2e: {  	s3 =	simm.s32 @!p0 $0x1082;
	s9 =	sld [smem:$0x3FB5]  }
0x2f: {  	lr =	sadd.s32 s0, s3;
	s0 =	sld [smem:$0x3FAC]  }
0x30: {  	s3 =	sld [smem:$0x3FAF]  }
0x31: {  	[smem:$0x3FB8] =	sst s10  }
0x32: {  	s10 =	sld [smem:$0x3FB6];
	_ =	sdelay $0x3  }
0x33: {  	p0 =	seq.s32 s10, $0x1;
	s10 =	sld [smem:$0x3FB8];
	_ =	sdelay $0x3  }
0x34: {  	[smem:$0x3FB8] =	sst s10  }
0x35: {  	s10 =	sld [smem:$0x3FB7];
	_ =	sdelay $0x3  }
0x36: {  	p1 =	seq.s32 s10, $0x1;
	s10 =	sld [smem:$0x3FB8];
	_ =	sdelay $0x3  }
0x37: {  	[smem:$0x3FB8] =	sst s10  }
0x38: {  	s10 =	sld [smem:$0x3FB9]  }
0x39: {  	_ = 	snop;
	(pc) =	sbr.ind lr, $3  }
0x3a: {  	_ = 	snop  }
0x3b: {  	_ = 	snop  }
0x3c: {  	p2 =	seq.s32 s10, $0x1;
	s10 =	sld [smem:$0x3FB8]  }
0x3d: {  	_ =	shalt  }
0x3e: {  	_ =	shalt  }
0x3f: {  	_ =	shalt  }
0x40: {  	_ =	shalt  }
0x41: {  	_ =	shalt  }
0x42: {  	_ =	shalt  }
0x43: {  	_ =	shalt  }
0x44: {  	_ =	shalt  }
0x45: {  	_ =	shalt  }
0x46: {  	_ =	shalt  }
0x47: {  	_ =	shalt  }
0x48: {  	_ =	shalt  }
0x49: {  	_ =	shalt  }
0x4a: {  	_ =	shalt  }
0x4b: {  	_ =	shalt  }
0x4c: {  	_ =	shalt  }
0x4d: {  	_ =	shalt  }
0x4e: {  	_ =	shalt  }
0x4f: {  	_ =	shalt  }
0x50: {  	_ =	shalt  }
0x51: {  	_ =	shalt  }
0x52: {  	_ =	shalt  }
0x53: {  	_ =	shalt  }
0x54: {  	_ =	shalt  }
0x55: {  	_ =	shalt  }
0x56: {  	_ =	shalt  }
0x57: {  	_ =	shalt  }
0x58: {  	_ =	shalt  }
0x59: {  	_ =	shalt  }
0x5a: {  	_ =	shalt  }
0x5b: {  	_ =	shalt  }
0x5c: {  	_ =	shalt  }
0x5d: {  	_ =	shalt  }
0x5e: {  	_ =	shalt  }
0x5f: {  	_ =	shalt  }
0x60: {  	_ =	shalt  }
0x61: {  	_ =	shalt  }
0x62: {  	_ =	shalt  }
0x63: {  	_ =	shalt  }
0x64: {  	_ =	shalt  }
0x65: {  	_ =	shalt  }
0x66: {  	_ =	shalt  }
0x67: {  	_ =	shalt  }
0x68: {  	_ =	shalt  }
0x69: {  	_ =	shalt  }
0x6a: {  	_ =	shalt  }
0x6b: {  	_ =	shalt  }
0x6c: {  	_ =	shalt  }
0x6d: {  	_ =	shalt  }
0x6e: {  	_ =	shalt  }
0x6f: {  	_ =	shalt  }
0x70: {  	_ =	shalt  }
0x71: {  	_ =	shalt  }
0x72: {  	_ =	shalt  }
0x73: {  	_ =	shalt  }
0x74: {  	_ =	shalt  }
0x75: {  	_ =	shalt  }
0x76: {  	_ =	shalt  }
0x77: {  	_ =	shalt  }
0x78: {  	_ =	shalt  }
0x79: {  	_ =	shalt  }
0x7a: {  	_ =	shalt  }
0x7b: {  	_ =	shalt  }
0x7c: {  	_ =	shalt  }
0x7d: {  	_ =	shalt  }
0x7e: {  	_ =	shalt  }
0x7f: {  	_ =	shalt  }
0x80: {  	_ =	shalt  }
0x81: {  	_ =	shalt  }
0x82: {  	_ =	shalt  }
0x83: {  	_ =	shalt  }
0x84: {  	_ =	shalt  }
0x85: {  	_ =	shalt  }
0x86: {  	_ =	shalt  }
0x87: {  	_ =	shalt  }
.Lfunc_end0:
.L_simem_size_0:
called_computation_lowered:
.L_overlay_start_0:
0x88: {  	s0 =	sld [smem:$0x3FD9]  }
0x89: {  	s1 =	sld [smem:$0x3FFE];
	_ =	sdelay $0x3  }
0x8a: {  	s0 =	sadd.s32 s1, s0  }
0x8b: {  	[smem:$0x3FC4] =	sst s0  }
0x8c: {  	_ = 	snop  }
0x8d: {  	s0 =	sld [smem:$0x3FC8]  }
0x8e: {  	s16 =	sld [smem:$0x3FC7];
	(tm) =	ssettm $0x1  }
0x8f: {  	s2 =	sld [smem:$0x3FFB];
	_ =	sdelay $0x3  }
0x90: {  	_ =	strace s2  }
0x91: {  	s2 =	sld [smem:$0x3FFC];
	_ =	sdelay $0x3  }
0x92: {  	_ =	strace s2  }
0x93: {  	s2 =	sld [smem:$0x3FFD];
	_ =	sdelay $0x3  }
0x94: {  	_ =	strace s2  }
0x95: {  	_ =	strace $0x8FFFFFFF  }
0x96: {  	s17 =	sld [smem:$0x3FDB];
	_ =	sdelay $0x1  }
0x97: {  	s3 =	simm.s32 $_scs_section_size  }
0x98: {  	s4 =	simm.s32 $_size__tile_overlayer_lowered;
	s5 =	simm.s32 $_tile_overlayer_lowered  }
0x99: {  	s20 =	simm.s32 $0x1BFF;
	s19 =	sshll.u32 s5, $0x1;
	s2 =	sadd.s32 s3, s17  }
0x9a: {  	s6 =	simm.s32 $0x0;
	s18 =	sshll.u32 s4, $0x1;
	s4 =	sadd.s32 s19, s2  }
0x9b: {  	[timem:s6], [sflag:s20] =	dma.local [hbm:s4], s18  }
0x9c: {  	_ =	swait.ge [sflag:s20], s18  }
0x9d: {  	s3 =	ssub.s32 $0x0, s18;
	[sflag:s20] =	ssyncset.done $0x0  }
0x9e: {  	[sflag:s20] =	ssyncadd.s32 s3;
	_ =	sdelay $0x1  }
0x9f: {  	s21 =	simm.s32 $0x1B8B  }
0xa0: {  	_ =	swait.ge [sflag:s21], $0x1  }
0xa1: {  	[sflag:s21] =	ssyncset.done $0x0  }
0xa2: {  	s23 =	simm.s32 $0x1B8E;
	s22 =	sld [smem:$0x3FFE];
	[sflag:s21] =	ssyncadd.s32 $0xFFFFFFFF  }
0xa3: {  	s24 =	simm.s32 $execute0_lowered;
	[smem:$0x3FD2] =	sst s23  }
0xa4: {  	s4 =	sshll.u32 s24, $0x1;
	_ =	strace $0x80000046;
	[dreg:$0x1] =	wrdreg $0xFFFFFFFF  }
0xa5: {  	s25 =	simm.s32 $_size_execute0_lowered;
	s2 =	sadd.s32 s2, s4;
	[dreg:$0x0] =	wrdreg $0x0  }
0xa6: {  	s4 =	sshll.u32 s25, $0x1;
	[dreg:$0x2] =	wrdreg s2  }
0xa7: {  	[dreg:$0x3] =	wrdreg s4  }
0xa8: {  	[dreg:$0x4] =	wrdreg $0xC0  }
0xa9: {  	_ =	task [dreg:s6], $0x5FFFF  }
0xaa: {  	[dreg:$0x1] =	wrdreg $0xFFFFFFFF  }
0xab: {  	[dreg:$0x0] =	wrdreg $0x60  }
0xac: {  	[dreg:$0x2] =	wrdreg s22  }
0xad: {  	[dreg:$0x3] =	wrdreg s0  }
0xae: {  	[dreg:$0x4] =	wrdreg s16  }
0xaf: {  	[dreg:$0x5] =	wrdreg $0x9  }
0xb0: {  	_ =	task.clear_ibuf [dreg:s6], $0x6FFFF;
	_ =	strace $0x90000046  }
0xb1: {  	s26 =	simm.s32 $0x9;
	_ =	strace $0x80000048  }
0xb2: {  	_ =	swait.ge [sflag:s26], $0x1  }
0xb3: {  	[sflag:s26] =	ssyncadd.s32 $0xFFFFFFFF  }
0xb4: {  	_ =	strace $0x90000048  }
0xb5: {  	_ =	sfence  }
0xb6: {  	s28 =	sld [smem:$0x0];
	_ =	sdelay $0x1  }
0xb7: {  	s29 =	srdreg.scid  }
0xb8: {  	s30 =	sshll.u32 s29, $0xD;
	s31 =	sshrl.u32 s29, $0x2  }
0xb9: {  	s1 =	sand.u32 $0x1, s29;
	s2 =	sand.u32 $0x4000, s30;
	s0 =	sadd.s32 s31, s28  }
0xba: {  	s1 =	sor.u32 s2, s1;
	s0 =	sshll.u32 s0, $0x11  }
0xbb: {  	s0 =	sor.u32 s0, s1  }
0xbc: {  	s0 =	sadd.s32 $0x8F2B, s0  }
0xbd: {  	[sflag:s0] =	ssyncadd.remote.s32 $0x1  }
0xbe: {  	_ =	sfence.sel $0xFFFF  }
0xbf: {  	[dreg:$0x0] =	wrdreg $0xFFFFFFFF;
	(pc) =	sbr.abs _section_cstart, $3  }
0xc0: {  	[dreg:$0x1] =	wrdreg $0xFFFFFFFF  }
0xc1: {  	_ =	task.clear_ibuf [dreg:s6], $0x2FFFF;
	_ =	strace $0x9FFFFFFF  }
0xc2: {  	(tm) =	ssettm $0x7FFFFFFF  }
0xc3: {  	_ =	shalt  }
tec
execute0_lowered:
.L_overlay_start_1:
0x0: {  	(tag) =	ssettag $0x1  }
0x1: {  	s3 =	rddreg [dreg:$0x0]  }
0x2: {  	s5 =	rddreg [dreg:$0x1];
	s0 =	stileid.u32  }
0x3: {  	s7 =	rddreg [dreg:$0x2];
	s4 =	smul.u32 $0x500, s0  }
0x4: {  	s1 =	rddreg [dreg:$0x3];
	s8 =	simm.s32 $0x0  }
0x5: {  	s30 =	simm.s32 $0x2;
	[smem:$0x7FF] =	sst s8;
	s2 =	sshrl.u32 s4, $0x3  }
0x6: {  	_ =	strace $0x80000047;
	s6 =	sadd.s32 $0x0, s4;
	s5 =	sadd.s32 s5, s2  }
0x7: {  	[tilespmem:s8], [sflag:$0x2] =	stream.linear.gather [hbm4b:s5+s8], $0x500, $0x38;
	[tilespmem:$0x1380] =	vst v63  }
0x8: {  	v0 =	vmov s6;
	_ =	swait.ge [sflag:s30], $0x500  }
0x9: {  	v0 =	vshra.s32 v0, $0x6;
	[sflag:s30] =	ssyncset.done $0x0  }
0xa: {  	s6 =	simm.s32 $0x500;
	v0 =	vbroadcast v0, $0x0;
	[sflag:s30] =	ssyncadd.s32 $0xFFFFFB00  }
0xb: {  	[tilespmem:s6], [sflag:$0x2] =	stream.linear.gather [hbm4b:s7+s8], $0x180, $0x38;
	[tilespmem:$0x1380] =	vst v63  }
0xc: {  	_ =	swait.ge [sflag:s30], $0x180  }
0xd: {  	[sflag:s30] =	ssyncset.done $0x0  }
0xe: {  	[sflag:s30] =	ssyncadd.s32 $0xFFFFFE80  }
0xf: {  	v1 =	vld [tilespmem:s8+$0x0]  }
0x10: {  	v2 =	vld.idx.msk [tilespmem:v0+s6+$0x0], $0xffff  }
0x11: {  	s31 =	sadd.s32 $0x10, s4  }
0x12: {  	v0 =	vmov s31  }
0x13: {  	v3 =	vshra.s32 v0, $0x6  }
0x14: {  	v0 =	vlaneseq.u32;
	v3 =	vbroadcast v3, $0x0;
	v1 =	vmul.u32 $0x500, v1  }
0x15: {  	v4 =	vor.u32 s8, v0;
	v2 =	vshll.u32 v2, $0x6  }
0x16: {  	v4 =	vand.u32 $0x3F, v4;
	v1 =	vadd.s32 v2, v1  }
0x17: {  	s8 =	simm.s32 $0x680;
	v1 =	vor.u32 v4, v1  }
0x18: {  	s9 =	simm.s32 $0x10;
	[tilespmem:s8+$0x0] =	vst v1  }
0x19: {  	v2 =	vld [tilespmem:s9+$0x0]  }
0x1a: {  	s11 =	simm.s32 $0x30;
	s10 =	simm.s32 $0x10;
	s12 =	sadd.s32 $0x20, s4;
	v1 =	vld.idx.msk [tilespmem:v3+s6+$0x0], $0xffff  }
0x1b: {  	s5 =	sadd.s32 $0x600, s3;
	s3 =	sadd.s32 $0x14600, s3;
	s7 =	simm.s32 $0x20  }
.LBB2_1:
0x1c: {  	p0 =	sne.s32 s11, $0x70;
	v3 =	vmov s12  }
0x1d: {  	v3 =	vshra.s32 v3, $0x6  }
0x1e: {  	v2 =	vmul.u32 $0x500, v2;
	v3 =	vbroadcast v3, $0x0  }
0x1f: {  	v4 =	vor.u32 s9, v0;
	s9 =	smov.u32 s7;
	s7 =	smov.u32 s11;
	v1 =	vshll.u32 v1, $0x6  }
0x20: {  	v4 =	vand.u32 $0x3F, v4;
	v1 =	vadd.s32 v1, v2  }
0x21: {  	s8 =	sadd.s32 $0x10, s8;
	v1 =	vor.u32 v4, v1  }
.Ltmp0:
0x22: {  	s10 =	sadd.s32 $0x10, s10;
	[tilespmem:s8+$0x0] =	vst v1;
	(pc) =	sbr.rel @p0 .LBB2_1-.Ltmp0, $3  }
0x23: {  	v2 =	vld [tilespmem:s10+$0x0]  }
0x24: {  	v1 =	vld.idx.msk [tilespmem:v3+s6+$0x0], $0xffff;
	_ =	sdelay $0x1  }
0x25: {  	s11 =	sadd.s32 $0x10, s11;
	s12 =	sadd.s32 s4, s7  }
0x26: {  	v3 =	vmov s12  }
0x27: {  	v3 =	vshra.s32 v3, $0x6  }
0x28: {  	v2 =	vmul.u32 $0x500, v2;
	v3 =	vbroadcast v3, $0x0  }
0x29: {  	v4 =	vor.u32 s9, v0;
	v1 =	vshll.u32 v1, $0x6  }
0x2a: {  	v4 =	vand.u32 $0x3F, v4;
	v1 =	vadd.s32 v1, v2  }
0x2b: {  	s8 =	sadd.s32 $0x10, s8;
	v1 =	vor.u32 v4, v1  }
0x2c: {  	s24 =	sadd.s32 $0x10, s10;
	[tilespmem:s8+$0x0] =	vst v1  }
0x2d: {  	v1 =	vld [tilespmem:s24+$0x0]  }
0x2e: {  	v2 =	vld.idx.msk [tilespmem:v3+s6+$0x0], $0xffff;
	_ =	sdelay $0x1  }
0x2f: {  	s25 =	sadd.s32 $0x80, s4  }
0x30: {  	v3 =	vmov s25  }
0x31: {  	v3 =	vshra.s32 v3, $0x6;
	v1 =	vmul.u32 $0x500, v1  }
0x32: {  	v0 =	vor.u32 s7, v0;
	v3 =	vbroadcast v3, $0x0;
	v2 =	vshll.u32 v2, $0x6  }
0x33: {  	v0 =	vand.u32 $0x3F, v0;
	v1 =	vadd.s32 v2, v1  }
0x34: {  	s26 =	sadd.s32 $0x10, s8;
	v0 =	vor.u32 v0, v1  }
0x35: {  	s28 =	simm.s32 $0x80;
	s29 =	simm.s32 $0x680;
	s30 =	simm.s32 $0xE80;
	[tilespmem:s26+$0x0] =	vst v0  }
0x36: {  	[tilespmem:s30], [sflag:$0x1] =	stream.indirect.gather [hbm4b:s5+s28], $0x1, s29, s28, $0xb8;
	[tilespmem:$0x1380] =	vst v63  }
0x37: {  	s6 =	simm.s32 $0x500;
	v1 =	vld [tilespmem:s28+$0x0]  }
0x38: {  	v2 =	vld.idx.msk [tilespmem:v3+s6+$0x0], $0xffff  }
0x39: {  	s31 =	sadd.s32 $0x90, s4  }
0x3a: {  	v0 =	vmov s31  }
0x3b: {  	v3 =	vshra.s32 v0, $0x6  }
0x3c: {  	v0 =	vlaneseq.u32;
	v3 =	vbroadcast v3, $0x0;
	v1 =	vmul.u32 $0x500, v1  }
0x3d: {  	v63 =	vor.u32 s28, v0;
	v2 =	vshll.u32 v2, $0x6  }
0x3e: {  	v4 =	vand.u32 $0x3F, v63;
	v1 =	vadd.s32 v2, v1  }
0x3f: {  	s8 =	simm.s32 $0x700;
	v1 =	vor.u32 v4, v1  }
0x40: {  	s10 =	simm.s32 $0x90;
	[tilespmem:s8+$0x0] =	vst v1  }
0x41: {  	v2 =	vld [tilespmem:s10+$0x0]  }
0x42: {  	s7 =	simm.s32 $0xA0;
	v1 =	vld.idx.msk [tilespmem:v3+s6+$0x0], $0xffff  }
0x43: {  	s12 =	sadd.s32 $0xA0, s4;
	s11 =	simm.s32 $0xB0;
	s9 =	simm.s32 $0x90  }
.LBB2_3:
0x44: {  	p0 =	sne.s32 s11, $0xF0;
	v3 =	vmov s12  }
0x45: {  	v3 =	vshra.s32 v3, $0x6  }
0x46: {  	v2 =	vmul.u32 $0x500, v2;
	v3 =	vbroadcast v3, $0x0  }
0x47: {  	v4 =	vor.u32 s10, v0;
	s10 =	smov.u32 s7;
	s7 =	smov.u32 s11;
	v1 =	vshll.u32 v1, $0x6  }
0x48: {  	v4 =	vand.u32 $0x3F, v4;
	v1 =	vadd.s32 v1, v2  }
0x49: {  	s8 =	sadd.s32 $0x10, s8;
	v1 =	vor.u32 v4, v1  }
.Ltmp1:
0x4a: {  	s9 =	sadd.s32 $0x10, s9;
	[tilespmem:s8+$0x0] =	vst v1;
	(pc) =	sbr.rel @p0 .LBB2_3-.Ltmp1, $3  }
0x4b: {  	v2 =	vld [tilespmem:s9+$0x0]  }
0x4c: {  	v1 =	vld.idx.msk [tilespmem:v3+s6+$0x0], $0xffff;
	_ =	sdelay $0x1  }
0x4d: {  	s11 =	sadd.s32 $0x10, s11;
	s12 =	sadd.s32 s4, s7  }
0x4e: {  	v3 =	vmov s12  }
0x4f: {  	v3 =	vshra.s32 v3, $0x6  }
0x50: {  	v2 =	vmul.u32 $0x500, v2;
	v3 =	vbroadcast v3, $0x0  }
0x51: {  	v4 =	vor.u32 s10, v0;
	v1 =	vshll.u32 v1, $0x6  }
0x52: {  	v4 =	vand.u32 $0x3F, v4;
	v1 =	vadd.s32 v1, v2  }
0x53: {  	s8 =	sadd.s32 $0x10, s8;
	v1 =	vor.u32 v4, v1  }
0x54: {  	s9 =	sadd.s32 $0x10, s9;
	[tilespmem:s8+$0x0] =	vst v1  }
0x55: {  	v1 =	vld [tilespmem:s9+$0x0]  }
0x56: {  	v2 =	vld.idx.msk [tilespmem:v3+s6+$0x0], $0xffff;
	_ =	sdelay $0x2  }
0x57: {  	s24 =	sadd.s32 $0x100, s4  }
0x58: {  	v3 =	vmov s24;
	v1 =	vmul.u32 $0x500, v1  }
0x59: {  	v3 =	vshra.s32 v3, $0x6;
	v2 =	vshll.u32 v2, $0x6  }
0x5a: {  	v0 =	vor.u32 s7, v0;
	v1 =	vadd.s32 v2, v1;
	v2 =	vbroadcast v3, $0x0  }
0x5b: {  	v0 =	vand.u32 $0x3F, v0  }
0x5c: {  	s26 =	simm.s32 $0x80;
	s25 =	sadd.s32 $0x10, s8;
	v0 =	vor.u32 v0, v1  }
0x5d: {  	s28 =	simm.s32 $0x700;
	s29 =	simm.s32 $0xF00;
	s30 =	simm.s32 $0x100;
	[tilespmem:s25+$0x0] =	vst v0  }
0x5e: {  	[tilespmem:s29], [sflag:$0x1] =	stream.indirect.gather [hbm4b:s5+s26], $0x1, s28, s26, $0xb8;
	[tilespmem:$0x1380] =	vst v63  }
0x5f: {  	s6 =	simm.s32 $0x500;
	v1 =	vld [tilespmem:s30+$0x0]  }
0x60: {  	v2 =	vld.idx.msk [tilespmem:v2+s6+$0x0], $0xffff  }
0x61: {  	s31 =	sadd.s32 $0x110, s4  }
0x62: {  	v0 =	vmov s31  }
0x63: {  	v3 =	vshra.s32 v0, $0x6  }
0x64: {  	v0 =	vlaneseq.u32;
	v3 =	vbroadcast v3, $0x0;
	v1 =	vmul.u32 $0x500, v1  }
0x65: {  	v63 =	vor.u32 s30, v0;
	v2 =	vshll.u32 v2, $0x6  }
0x66: {  	v4 =	vand.u32 $0x3F, v63;
	v1 =	vadd.s32 v2, v1  }
0x67: {  	s8 =	simm.s32 $0x780;
	v1 =	vor.u32 v4, v1  }
0x68: {  	s10 =	simm.s32 $0x110;
	[tilespmem:s8+$0x0] =	vst v1  }
0x69: {  	v2 =	vld [tilespmem:s10+$0x0]  }
0x6a: {  	s7 =	simm.s32 $0x120;
	v1 =	vld.idx.msk [tilespmem:v3+s6+$0x0], $0xffff  }
0x6b: {  	s12 =	sadd.s32 $0x120, s4;
	s11 =	simm.s32 $0x130;
	s9 =	simm.s32 $0x110  }
.LBB2_5:
0x6c: {  	p0 =	sne.s32 s11, $0x170;
	v3 =	vmov s12  }
0x6d: {  	v3 =	vshra.s32 v3, $0x6  }
0x6e: {  	v2 =	vmul.u32 $0x500, v2;
	v3 =	vbroadcast v3, $0x0  }
0x6f: {  	v4 =	vor.u32 s10, v0;
	s10 =	smov.u32 s7;
	s7 =	smov.u32 s11;
	v1 =	vshll.u32 v1, $0x6  }
0x70: {  	v4 =	vand.u32 $0x3F, v4;
	v1 =	vadd.s32 v1, v2  }
0x71: {  	s8 =	sadd.s32 $0x10, s8;
	v1 =	vor.u32 v4, v1  }
.Ltmp2:
0x72: {  	s9 =	sadd.s32 $0x10, s9;
	[tilespmem:s8+$0x0] =	vst v1;
	(pc) =	sbr.rel @p0 .LBB2_5-.Ltmp2, $3  }
0x73: {  	v2 =	vld [tilespmem:s9+$0x0]  }
0x74: {  	v1 =	vld.idx.msk [tilespmem:v3+s6+$0x0], $0xffff;
	_ =	sdelay $0x1  }
0x75: {  	s11 =	sadd.s32 $0x10, s11;
	s12 =	sadd.s32 s4, s7  }
0x76: {  	v3 =	vmov s12  }
0x77: {  	v3 =	vshra.s32 v3, $0x6  }
0x78: {  	v2 =	vmul.u32 $0x500, v2;
	v3 =	vbroadcast v3, $0x0  }
0x79: {  	v4 =	vor.u32 s10, v0;
	v1 =	vshll.u32 v1, $0x6  }
0x7a: {  	v4 =	vand.u32 $0x3F, v4;
	v1 =	vadd.s32 v1, v2  }
0x7b: {  	s8 =	sadd.s32 $0x10, s8;
	v1 =	vor.u32 v4, v1  }
0x7c: {  	s9 =	sadd.s32 $0x10, s9;
	[tilespmem:s8+$0x0] =	vst v1  }
0x7d: {  	v1 =	vld [tilespmem:s9+$0x0]  }
0x7e: {  	v2 =	vld.idx.msk [tilespmem:v3+s6+$0x0], $0xffff;
	_ =	sdelay $0x2  }
0x7f: {  	s24 =	sadd.s32 $0x180, s4  }
0x80: {  	v3 =	vmov s24;
	v1 =	vmul.u32 $0x500, v1  }
0x81: {  	v3 =	vshra.s32 v3, $0x6;
	v2 =	vshll.u32 v2, $0x6  }
0x82: {  	v0 =	vor.u32 s7, v0;
	v1 =	vadd.s32 v2, v1;
	v2 =	vbroadcast v3, $0x0  }
0x83: {  	v0 =	vand.u32 $0x3F, v0  }
0x84: {  	s26 =	simm.s32 $0x80;
	s25 =	sadd.s32 $0x10, s8;
	v0 =	vor.u32 v0, v1  }
0x85: {  	s28 =	simm.s32 $0x780;
	s29 =	simm.s32 $0xF80;
	s30 =	simm.s32 $0x180;
	[tilespmem:s25+$0x0] =	vst v0  }
0x86: {  	[tilespmem:s29], [sflag:$0x1] =	stream.indirect.gather [hbm4b:s5+s26], $0x1, s28, s26, $0xb8;
	[tilespmem:$0x1380] =	vst v63  }
0x87: {  	s6 =	simm.s32 $0x500;
	v1 =	vld [tilespmem:s30+$0x0]  }
0x88: {  	v2 =	vld.idx.msk [tilespmem:v2+s6+$0x0], $0xffff  }
0x89: {  	s31 =	sadd.s32 $0x190, s4  }
0x8a: {  	v0 =	vmov s31  }
0x8b: {  	v3 =	vshra.s32 v0, $0x6  }
0x8c: {  	v0 =	vlaneseq.u32;
	v3 =	vbroadcast v3, $0x0;
	v1 =	vmul.u32 $0x500, v1  }
0x8d: {  	v63 =	vor.u32 s30, v0;
	v2 =	vshll.u32 v2, $0x6  }
0x8e: {  	v4 =	vand.u32 $0x3F, v63;
	v1 =	vadd.s32 v2, v1  }
0x8f: {  	s8 =	simm.s32 $0x800;
	v1 =	vor.u32 v4, v1  }
0x90: {  	s10 =	simm.s32 $0x190;
	[tilespmem:s8+$0x0] =	vst v1  }
0x91: {  	v2 =	vld [tilespmem:s10+$0x0]  }
0x92: {  	s7 =	simm.s32 $0x1A0;
	v1 =	vld.idx.msk [tilespmem:v3+s6+$0x0], $0xffff  }
0x93: {  	s12 =	sadd.s32 $0x1A0, s4;
	s11 =	simm.s32 $0x1B0;
	s9 =	simm.s32 $0x190  }
.LBB2_7:
0x94: {  	p0 =	sne.s32 s11, $0x1F0;
	v3 =	vmov s12  }
0x95: {  	v3 =	vshra.s32 v3, $0x6  }
0x96: {  	v2 =	vmul.u32 $0x500, v2;
	v3 =	vbroadcast v3, $0x0  }
0x97: {  	v4 =	vor.u32 s10, v0;
	s10 =	smov.u32 s7;
	s7 =	smov.u32 s11;
	v1 =	vshll.u32 v1, $0x6  }
0x98: {  	v4 =	vand.u32 $0x3F, v4;
	v1 =	vadd.s32 v1, v2  }
0x99: {  	s8 =	sadd.s32 $0x10, s8;
	v1 =	vor.u32 v4, v1  }
.Ltmp3:
0x9a: {  	s9 =	sadd.s32 $0x10, s9;
	[tilespmem:s8+$0x0] =	vst v1;
	(pc) =	sbr.rel @p0 .LBB2_7-.Ltmp3, $3  }
0x9b: {  	v2 =	vld [tilespmem:s9+$0x0]  }
0x9c: {  	v1 =	vld.idx.msk [tilespmem:v3+s6+$0x0], $0xffff;
	_ =	sdelay $0x1  }
0x9d: {  	s11 =	sadd.s32 $0x10, s11;
	s12 =	sadd.s32 s4, s7  }
0x9e: {  	v3 =	vmov s12  }
0x9f: {  	v3 =	vshra.s32 v3, $0x6  }
0xa0: {  	v2 =	vmul.u32 $0x500, v2;
	v3 =	vbroadcast v3, $0x0  }
0xa1: {  	v4 =	vor.u32 s10, v0;
	v1 =	vshll.u32 v1, $0x6  }
0xa2: {  	v4 =	vand.u32 $0x3F, v4;
	v1 =	vadd.s32 v1, v2  }
0xa3: {  	s8 =	sadd.s32 $0x10, s8;
	v1 =	vor.u32 v4, v1  }
0xa4: {  	s9 =	sadd.s32 $0x10, s9;
	[tilespmem:s8+$0x0] =	vst v1  }
0xa5: {  	v1 =	vld [tilespmem:s9+$0x0]  }
0xa6: {  	v2 =	vld.idx.msk [tilespmem:v3+s6+$0x0], $0xffff;
	_ =	sdelay $0x2  }
0xa7: {  	s24 =	sadd.s32 $0x200, s4  }
0xa8: {  	v3 =	vmov s24;
	v1 =	vmul.u32 $0x500, v1  }
0xa9: {  	v3 =	vshra.s32 v3, $0x6;
	v2 =	vshll.u32 v2, $0x6  }
0xaa: {  	v0 =	vor.u32 s7, v0;
	v1 =	vadd.s32 v2, v1;
	v2 =	vbroadcast v3, $0x0  }
0xab: {  	v0 =	vand.u32 $0x3F, v0  }
0xac: {  	s26 =	simm.s32 $0x80;
	s25 =	sadd.s32 $0x10, s8;
	v0 =	vor.u32 v0, v1  }
0xad: {  	s28 =	simm.s32 $0x800;
	s29 =	simm.s32 $0x1000;
	s30 =	simm.s32 $0x200;
	[tilespmem:s25+$0x0] =	vst v0  }
0xae: {  	[tilespmem:s29], [sflag:$0x1] =	stream.indirect.gather [hbm4b:s5+s26], $0x1, s28, s26, $0xb8;
	[tilespmem:$0x1380] =	vst v63  }
0xaf: {  	s6 =	simm.s32 $0x500;
	v1 =	vld [tilespmem:s30+$0x0]  }
0xb0: {  	v2 =	vld.idx.msk [tilespmem:v2+s6+$0x0], $0xffff  }
0xb1: {  	s31 =	sadd.s32 $0x210, s4  }
0xb2: {  	v0 =	vmov s31  }
0xb3: {  	v3 =	vshra.s32 v0, $0x6  }
0xb4: {  	v0 =	vlaneseq.u32;
	v3 =	vbroadcast v3, $0x0;
	v1 =	vmul.u32 $0x500, v1  }
0xb5: {  	v63 =	vor.u32 s30, v0;
	v2 =	vshll.u32 v2, $0x6  }
0xb6: {  	v4 =	vand.u32 $0x3F, v63;
	v1 =	vadd.s32 v2, v1  }
0xb7: {  	s8 =	simm.s32 $0x880;
	v1 =	vor.u32 v4, v1  }
0xb8: {  	s10 =	simm.s32 $0x210;
	[tilespmem:s8+$0x0] =	vst v1  }
0xb9: {  	v2 =	vld [tilespmem:s10+$0x0]  }
0xba: {  	s7 =	simm.s32 $0x220;
	v1 =	vld.idx.msk [tilespmem:v3+s6+$0x0], $0xffff  }
0xbb: {  	s12 =	sadd.s32 $0x220, s4;
	s11 =	simm.s32 $0x230;
	s9 =	simm.s32 $0x210  }
.LBB2_9:
0xbc: {  	p0 =	sne.s32 s11, $0x270;
	v3 =	vmov s12  }
0xbd: {  	v3 =	vshra.s32 v3, $0x6  }
0xbe: {  	v2 =	vmul.u32 $0x500, v2;
	v3 =	vbroadcast v3, $0x0  }
0xbf: {  	v4 =	vor.u32 s10, v0;
	s10 =	smov.u32 s7;
	s7 =	smov.u32 s11;
	v1 =	vshll.u32 v1, $0x6  }
0xc0: {  	v4 =	vand.u32 $0x3F, v4;
	v1 =	vadd.s32 v1, v2  }
0xc1: {  	s8 =	sadd.s32 $0x10, s8;
	v1 =	vor.u32 v4, v1  }
.Ltmp4:
0xc2: {  	s9 =	sadd.s32 $0x10, s9;
	[tilespmem:s8+$0x0] =	vst v1;
	(pc) =	sbr.rel @p0 .LBB2_9-.Ltmp4, $3  }
0xc3: {  	v2 =	vld [tilespmem:s9+$0x0]  }
0xc4: {  	v1 =	vld.idx.msk [tilespmem:v3+s6+$0x0], $0xffff;
	_ =	sdelay $0x1  }
0xc5: {  	s11 =	sadd.s32 $0x10, s11;
	s12 =	sadd.s32 s4, s7  }
0xc6: {  	v3 =	vmov s12  }
0xc7: {  	v3 =	vshra.s32 v3, $0x6  }
0xc8: {  	v2 =	vmul.u32 $0x500, v2;
	v3 =	vbroadcast v3, $0x0  }
0xc9: {  	v4 =	vor.u32 s10, v0;
	v1 =	vshll.u32 v1, $0x6  }
0xca: {  	v4 =	vand.u32 $0x3F, v4;
	v1 =	vadd.s32 v1, v2  }
0xcb: {  	s8 =	sadd.s32 $0x10, s8;
	v1 =	vor.u32 v4, v1  }
0xcc: {  	s9 =	sadd.s32 $0x10, s9;
	[tilespmem:s8+$0x0] =	vst v1  }
0xcd: {  	v1 =	vld [tilespmem:s9+$0x0]  }
0xce: {  	v2 =	vld.idx.msk [tilespmem:v3+s6+$0x0], $0xffff;
	_ =	sdelay $0x2  }
0xcf: {  	s24 =	sadd.s32 $0x280, s4  }
0xd0: {  	v3 =	vmov s24;
	v1 =	vmul.u32 $0x500, v1  }
0xd1: {  	v3 =	vshra.s32 v3, $0x6;
	v2 =	vshll.u32 v2, $0x6  }
0xd2: {  	v0 =	vor.u32 s7, v0;
	v1 =	vadd.s32 v2, v1;
	v2 =	vbroadcast v3, $0x0  }
0xd3: {  	v0 =	vand.u32 $0x3F, v0  }
0xd4: {  	s26 =	simm.s32 $0x80;
	s25 =	sadd.s32 $0x10, s8;
	v0 =	vor.u32 v0, v1  }
0xd5: {  	s28 =	simm.s32 $0x880;
	s29 =	simm.s32 $0x1080;
	s30 =	simm.s32 $0x280;
	[tilespmem:s25+$0x0] =	vst v0  }
0xd6: {  	[tilespmem:s29], [sflag:$0x1] =	stream.indirect.gather [hbm4b:s5+s26], $0x1, s28, s26, $0xb8;
	[tilespmem:$0x1380] =	vst v63  }
0xd7: {  	s6 =	simm.s32 $0x500;
	v1 =	vld [tilespmem:s30+$0x0]  }
0xd8: {  	v2 =	vld.idx.msk [tilespmem:v2+s6+$0x0], $0xffff  }
0xd9: {  	s31 =	sadd.s32 $0x290, s4  }
0xda: {  	v0 =	vmov s31  }
0xdb: {  	v3 =	vshra.s32 v0, $0x6  }
0xdc: {  	v0 =	vlaneseq.u32;
	v3 =	vbroadcast v3, $0x0;
	v1 =	vmul.u32 $0x500, v1  }
0xdd: {  	v63 =	vor.u32 s30, v0;
	v2 =	vshll.u32 v2, $0x6  }
0xde: {  	v4 =	vand.u32 $0x3F, v63;
	v1 =	vadd.s32 v2, v1  }
0xdf: {  	s8 =	simm.s32 $0x900;
	v1 =	vor.u32 v4, v1  }
0xe0: {  	s10 =	simm.s32 $0x290;
	[tilespmem:s8+$0x0] =	vst v1  }
0xe1: {  	v2 =	vld [tilespmem:s10+$0x0]  }
0xe2: {  	s7 =	simm.s32 $0x2A0;
	v1 =	vld.idx.msk [tilespmem:v3+s6+$0x0], $0xffff  }
0xe3: {  	s12 =	sadd.s32 $0x2A0, s4;
	s11 =	simm.s32 $0x2B0;
	s9 =	simm.s32 $0x290  }
.LBB2_11:
0xe4: {  	p0 =	sne.s32 s11, $0x2F0;
	v3 =	vmov s12  }
0xe5: {  	v3 =	vshra.s32 v3, $0x6  }
0xe6: {  	v2 =	vmul.u32 $0x500, v2;
	v3 =	vbroadcast v3, $0x0  }
0xe7: {  	v4 =	vor.u32 s10, v0;
	s10 =	smov.u32 s7;
	s7 =	smov.u32 s11;
	v1 =	vshll.u32 v1, $0x6  }
0xe8: {  	v4 =	vand.u32 $0x3F, v4;
	v1 =	vadd.s32 v1, v2  }
0xe9: {  	s8 =	sadd.s32 $0x10, s8;
	v1 =	vor.u32 v4, v1  }
.Ltmp5:
0xea: {  	s9 =	sadd.s32 $0x10, s9;
	[tilespmem:s8+$0x0] =	vst v1;
	(pc) =	sbr.rel @p0 .LBB2_11-.Ltmp5, $3  }
0xeb: {  	v2 =	vld [tilespmem:s9+$0x0]  }
0xec: {  	v1 =	vld.idx.msk [tilespmem:v3+s6+$0x0], $0xffff;
	_ =	sdelay $0x1  }
0xed: {  	s11 =	sadd.s32 $0x10, s11;
	s12 =	sadd.s32 s4, s7  }
0xee: {  	v3 =	vmov s12  }
0xef: {  	v3 =	vshra.s32 v3, $0x6  }
0xf0: {  	v2 =	vmul.u32 $0x500, v2;
	v3 =	vbroadcast v3, $0x0  }
0xf1: {  	v4 =	vor.u32 s10, v0;
	v1 =	vshll.u32 v1, $0x6  }
0xf2: {  	v4 =	vand.u32 $0x3F, v4;
	v1 =	vadd.s32 v1, v2  }
0xf3: {  	s8 =	sadd.s32 $0x10, s8;
	v1 =	vor.u32 v4, v1  }
0xf4: {  	s9 =	sadd.s32 $0x10, s9;
	[tilespmem:s8+$0x0] =	vst v1  }
0xf5: {  	v1 =	vld [tilespmem:s9+$0x0]  }
0xf6: {  	v2 =	vld.idx.msk [tilespmem:v3+s6+$0x0], $0xffff;
	_ =	sdelay $0x2  }
0xf7: {  	s24 =	sadd.s32 $0x300, s4  }
0xf8: {  	v3 =	vmov s24;
	v1 =	vmul.u32 $0x500, v1  }
0xf9: {  	v3 =	vshra.s32 v3, $0x6;
	v2 =	vshll.u32 v2, $0x6  }
0xfa: {  	v0 =	vor.u32 s7, v0;
	v1 =	vadd.s32 v2, v1;
	v2 =	vbroadcast v3, $0x0  }
0xfb: {  	v0 =	vand.u32 $0x3F, v0  }
0xfc: {  	s26 =	simm.s32 $0x80;
	s25 =	sadd.s32 $0x10, s8;
	v0 =	vor.u32 v0, v1  }
0xfd: {  	s28 =	simm.s32 $0x900;
	s29 =	simm.s32 $0x1100;
	s30 =	simm.s32 $0x300;
	[tilespmem:s25+$0x0] =	vst v0  }
0xfe: {  	[tilespmem:s29], [sflag:$0x1] =	stream.indirect.gather [hbm4b:s5+s26], $0x1, s28, s26, $0xb8;
	[tilespmem:$0x1380] =	vst v63  }
0xff: {  	s6 =	simm.s32 $0x500;
	v1 =	vld [tilespmem:s30+$0x0]  }
0x100: {  	v2 =	vld.idx.msk [tilespmem:v2+s6+$0x0], $0xffff  }
0x101: {  	s31 =	sadd.s32 $0x310, s4  }
0x102: {  	v0 =	vmov s31  }
0x103: {  	v3 =	vshra.s32 v0, $0x6  }
0x104: {  	v0 =	vlaneseq.u32;
	v3 =	vbroadcast v3, $0x0;
	v1 =	vmul.u32 $0x500, v1  }
0x105: {  	v63 =	vor.u32 s30, v0;
	v2 =	vshll.u32 v2, $0x6  }
0x106: {  	v4 =	vand.u32 $0x3F, v63;
	v1 =	vadd.s32 v2, v1  }
0x107: {  	s8 =	simm.s32 $0x980;
	v1 =	vor.u32 v4, v1  }
0x108: {  	s10 =	simm.s32 $0x310;
	[tilespmem:s8+$0x0] =	vst v1  }
0x109: {  	v2 =	vld [tilespmem:s10+$0x0]  }
0x10a: {  	s7 =	simm.s32 $0x320;
	v1 =	vld.idx.msk [tilespmem:v3+s6+$0x0], $0xffff  }
0x10b: {  	s12 =	sadd.s32 $0x320, s4;
	s11 =	simm.s32 $0x330;
	s9 =	simm.s32 $0x310  }
.LBB2_13:
0x10c: {  	p0 =	sne.s32 s11, $0x370;
	v3 =	vmov s12  }
0x10d: {  	v3 =	vshra.s32 v3, $0x6  }
0x10e: {  	v2 =	vmul.u32 $0x500, v2;
	v3 =	vbroadcast v3, $0x0  }
0x10f: {  	v4 =	vor.u32 s10, v0;
	s10 =	smov.u32 s7;
	s7 =	smov.u32 s11;
	v1 =	vshll.u32 v1, $0x6  }
0x110: {  	v4 =	vand.u32 $0x3F, v4;
	v1 =	vadd.s32 v1, v2  }
0x111: {  	s8 =	sadd.s32 $0x10, s8;
	v1 =	vor.u32 v4, v1  }
.Ltmp6:
0x112: {  	s9 =	sadd.s32 $0x10, s9;
	[tilespmem:s8+$0x0] =	vst v1;
	(pc) =	sbr.rel @p0 .LBB2_13-.Ltmp6, $3  }
0x113: {  	v2 =	vld [tilespmem:s9+$0x0]  }
0x114: {  	v1 =	vld.idx.msk [tilespmem:v3+s6+$0x0], $0xffff;
	_ =	sdelay $0x1  }
0x115: {  	s11 =	sadd.s32 $0x10, s11;
	s12 =	sadd.s32 s4, s7  }
0x116: {  	v3 =	vmov s12  }
0x117: {  	v3 =	vshra.s32 v3, $0x6  }
0x118: {  	v2 =	vmul.u32 $0x500, v2;
	v3 =	vbroadcast v3, $0x0  }
0x119: {  	v4 =	vor.u32 s10, v0;
	v1 =	vshll.u32 v1, $0x6  }
0x11a: {  	v4 =	vand.u32 $0x3F, v4;
	v1 =	vadd.s32 v1, v2  }
0x11b: {  	s8 =	sadd.s32 $0x10, s8;
	v1 =	vor.u32 v4, v1  }
0x11c: {  	s9 =	sadd.s32 $0x10, s9;
	[tilespmem:s8+$0x0] =	vst v1  }
0x11d: {  	v1 =	vld [tilespmem:s9+$0x0]  }
0x11e: {  	v2 =	vld.idx.msk [tilespmem:v3+s6+$0x0], $0xffff;
	_ =	sdelay $0x2  }
0x11f: {  	s24 =	sadd.s32 $0x380, s4  }
0x120: {  	v3 =	vmov s24;
	v1 =	vmul.u32 $0x500, v1  }
0x121: {  	v3 =	vshra.s32 v3, $0x6;
	v2 =	vshll.u32 v2, $0x6  }
0x122: {  	v0 =	vor.u32 s7, v0;
	v1 =	vadd.s32 v2, v1;
	v2 =	vbroadcast v3, $0x0  }
0x123: {  	v0 =	vand.u32 $0x3F, v0  }
0x124: {  	s26 =	simm.s32 $0x80;
	s25 =	sadd.s32 $0x10, s8;
	v0 =	vor.u32 v0, v1  }
0x125: {  	s28 =	simm.s32 $0x980;
	s29 =	simm.s32 $0x1180;
	s30 =	simm.s32 $0x380;
	[tilespmem:s25+$0x0] =	vst v0  }
0x126: {  	[tilespmem:s29], [sflag:$0x1] =	stream.indirect.gather [hbm4b:s5+s26], $0x1, s28, s26, $0xb8;
	[tilespmem:$0x1380] =	vst v63  }
0x127: {  	s6 =	simm.s32 $0x500;
	v1 =	vld [tilespmem:s30+$0x0]  }
0x128: {  	v2 =	vld.idx.msk [tilespmem:v2+s6+$0x0], $0xffff  }
0x129: {  	s31 =	sadd.s32 $0x390, s4  }
0x12a: {  	v0 =	vmov s31  }
0x12b: {  	v3 =	vshra.s32 v0, $0x6  }
0x12c: {  	v0 =	vlaneseq.u32;
	v3 =	vbroadcast v3, $0x0;
	v1 =	vmul.u32 $0x500, v1  }
0x12d: {  	v63 =	vor.u32 s30, v0;
	v2 =	vshll.u32 v2, $0x6  }
0x12e: {  	v4 =	vand.u32 $0x3F, v63;
	v1 =	vadd.s32 v2, v1  }
0x12f: {  	s8 =	simm.s32 $0xA00;
	v1 =	vor.u32 v4, v1  }
0x130: {  	s10 =	simm.s32 $0x390;
	[tilespmem:s8+$0x0] =	vst v1  }
0x131: {  	v2 =	vld [tilespmem:s10+$0x0]  }
0x132: {  	s7 =	simm.s32 $0x3A0;
	v1 =	vld.idx.msk [tilespmem:v3+s6+$0x0], $0xffff  }
0x133: {  	s12 =	sadd.s32 $0x3A0, s4;
	s11 =	simm.s32 $0x3B0;
	s9 =	simm.s32 $0x390  }
.LBB2_15:
0x134: {  	p0 =	sne.s32 s11, $0x3F0;
	v3 =	vmov s12  }
0x135: {  	v3 =	vshra.s32 v3, $0x6  }
0x136: {  	v2 =	vmul.u32 $0x500, v2;
	v3 =	vbroadcast v3, $0x0  }
0x137: {  	v4 =	vor.u32 s10, v0;
	s10 =	smov.u32 s7;
	s7 =	smov.u32 s11;
	v1 =	vshll.u32 v1, $0x6  }
0x138: {  	v4 =	vand.u32 $0x3F, v4;
	v1 =	vadd.s32 v1, v2  }
0x139: {  	s8 =	sadd.s32 $0x10, s8;
	v1 =	vor.u32 v4, v1  }
.Ltmp7:
0x13a: {  	s9 =	sadd.s32 $0x10, s9;
	[tilespmem:s8+$0x0] =	vst v1;
	(pc) =	sbr.rel @p0 .LBB2_15-.Ltmp7, $3  }
0x13b: {  	v2 =	vld [tilespmem:s9+$0x0]  }
0x13c: {  	v1 =	vld.idx.msk [tilespmem:v3+s6+$0x0], $0xffff;
	_ =	sdelay $0x1  }
0x13d: {  	s11 =	sadd.s32 $0x10, s11;
	s12 =	sadd.s32 s4, s7  }
0x13e: {  	v3 =	vmov s12  }
0x13f: {  	v3 =	vshra.s32 v3, $0x6  }
0x140: {  	v2 =	vmul.u32 $0x500, v2;
	v3 =	vbroadcast v3, $0x0  }
0x141: {  	v4 =	vor.u32 s10, v0;
	v1 =	vshll.u32 v1, $0x6  }
0x142: {  	v4 =	vand.u32 $0x3F, v4;
	v1 =	vadd.s32 v1, v2  }
0x143: {  	s8 =	sadd.s32 $0x10, s8;
	v1 =	vor.u32 v4, v1  }
0x144: {  	s9 =	sadd.s32 $0x10, s9;
	[tilespmem:s8+$0x0] =	vst v1  }
0x145: {  	v1 =	vld [tilespmem:s9+$0x0]  }
0x146: {  	v2 =	vld.idx.msk [tilespmem:v3+s6+$0x0], $0xffff;
	_ =	sdelay $0x2  }
0x147: {  	s24 =	sadd.s32 $0x400, s4  }
0x148: {  	v3 =	vmov s24;
	v1 =	vmul.u32 $0x500, v1  }
0x149: {  	v3 =	vshra.s32 v3, $0x6;
	v2 =	vshll.u32 v2, $0x6  }
0x14a: {  	v0 =	vor.u32 s7, v0;
	v1 =	vadd.s32 v2, v1;
	v2 =	vbroadcast v3, $0x0  }
0x14b: {  	v0 =	vand.u32 $0x3F, v0  }
0x14c: {  	s26 =	simm.s32 $0x80;
	s25 =	sadd.s32 $0x10, s8;
	v0 =	vor.u32 v0, v1  }
0x14d: {  	s28 =	simm.s32 $0xA00;
	s29 =	simm.s32 $0x1200;
	s30 =	simm.s32 $0x400;
	[tilespmem:s25+$0x0] =	vst v0  }
0x14e: {  	[tilespmem:s29], [sflag:$0x1] =	stream.indirect.gather [hbm4b:s5+s26], $0x1, s28, s26, $0xb8;
	[tilespmem:$0x1380] =	vst v63  }
0x14f: {  	s6 =	simm.s32 $0x500;
	v1 =	vld [tilespmem:s30+$0x0]  }
0x150: {  	v2 =	vld.idx.msk [tilespmem:v2+s6+$0x0], $0xffff  }
0x151: {  	s31 =	sadd.s32 $0x410, s4  }
0x152: {  	v0 =	vmov s31  }
0x153: {  	v3 =	vshra.s32 v0, $0x6  }
0x154: {  	v0 =	vlaneseq.u32;
	v3 =	vbroadcast v3, $0x0;
	v1 =	vmul.u32 $0x500, v1  }
0x155: {  	v63 =	vor.u32 s30, v0;
	v2 =	vshll.u32 v2, $0x6  }
0x156: {  	v4 =	vand.u32 $0x3F, v63;
	v1 =	vadd.s32 v2, v1  }
0x157: {  	s8 =	simm.s32 $0xA80;
	v1 =	vor.u32 v4, v1  }
0x158: {  	s10 =	simm.s32 $0x410;
	[tilespmem:s8+$0x0] =	vst v1  }
0x159: {  	v2 =	vld [tilespmem:s10+$0x0]  }
0x15a: {  	s7 =	simm.s32 $0x420;
	v1 =	vld.idx.msk [tilespmem:v3+s6+$0x0], $0xffff  }
0x15b: {  	s12 =	sadd.s32 $0x420, s4;
	s11 =	simm.s32 $0x430;
	s9 =	simm.s32 $0x410  }
.LBB2_17:
0x15c: {  	p0 =	sne.s32 s11, $0x470;
	v3 =	vmov s12  }
0x15d: {  	v3 =	vshra.s32 v3, $0x6  }
0x15e: {  	v2 =	vmul.u32 $0x500, v2;
	v3 =	vbroadcast v3, $0x0  }
0x15f: {  	v4 =	vor.u32 s10, v0;
	s10 =	smov.u32 s7;
	s7 =	smov.u32 s11;
	v1 =	vshll.u32 v1, $0x6  }
0x160: {  	v4 =	vand.u32 $0x3F, v4;
	v1 =	vadd.s32 v1, v2  }
0x161: {  	s8 =	sadd.s32 $0x10, s8;
	v1 =	vor.u32 v4, v1  }
.Ltmp8:
0x162: {  	s9 =	sadd.s32 $0x10, s9;
	[tilespmem:s8+$0x0] =	vst v1;
	(pc) =	sbr.rel @p0 .LBB2_17-.Ltmp8, $3  }
0x163: {  	v2 =	vld [tilespmem:s9+$0x0]  }
0x164: {  	v1 =	vld.idx.msk [tilespmem:v3+s6+$0x0], $0xffff;
	_ =	sdelay $0x1  }
0x165: {  	s11 =	sadd.s32 $0x10, s11;
	s12 =	sadd.s32 s4, s7  }
0x166: {  	v3 =	vmov s12  }
0x167: {  	v3 =	vshra.s32 v3, $0x6  }
0x168: {  	v2 =	vmul.u32 $0x500, v2;
	v3 =	vbroadcast v3, $0x0  }
0x169: {  	v4 =	vor.u32 s10, v0;
	v1 =	vshll.u32 v1, $0x6  }
0x16a: {  	v4 =	vand.u32 $0x3F, v4;
	v1 =	vadd.s32 v1, v2  }
0x16b: {  	s8 =	sadd.s32 $0x10, s8;
	v1 =	vor.u32 v4, v1  }
0x16c: {  	s9 =	sadd.s32 $0x10, s9;
	[tilespmem:s8+$0x0] =	vst v1  }
0x16d: {  	v1 =	vld [tilespmem:s9+$0x0]  }
0x16e: {  	v2 =	vld.idx.msk [tilespmem:v3+s6+$0x0], $0xffff;
	_ =	sdelay $0x2  }
0x16f: {  	s24 =	sadd.s32 $0x480, s4  }
0x170: {  	v3 =	vmov s24;
	v1 =	vmul.u32 $0x500, v1  }
0x171: {  	v3 =	vshra.s32 v3, $0x6;
	v2 =	vshll.u32 v2, $0x6  }
0x172: {  	v0 =	vor.u32 s7, v0;
	v1 =	vadd.s32 v2, v1;
	v2 =	vbroadcast v3, $0x0  }
0x173: {  	v0 =	vand.u32 $0x3F, v0  }
0x174: {  	s26 =	simm.s32 $0x80;
	s25 =	sadd.s32 $0x10, s8;
	v0 =	vor.u32 v0, v1  }
0x175: {  	s28 =	simm.s32 $0xA80;
	s29 =	simm.s32 $0x1280;
	s30 =	simm.s32 $0x480;
	[tilespmem:s25+$0x0] =	vst v0  }
0x176: {  	[tilespmem:s29], [sflag:$0x1] =	stream.indirect.gather [hbm4b:s5+s26], $0x1, s28, s26, $0xb8;
	[tilespmem:$0x1380] =	vst v63  }
0x177: {  	s6 =	simm.s32 $0x500;
	v1 =	vld [tilespmem:s30+$0x0]  }
0x178: {  	v2 =	vld.idx.msk [tilespmem:v2+s6+$0x0], $0xffff  }
0x179: {  	s31 =	sadd.s32 $0x490, s4  }
0x17a: {  	v0 =	vmov s31  }
0x17b: {  	v3 =	vshra.s32 v0, $0x6  }
0x17c: {  	v0 =	vlaneseq.u32;
	v3 =	vbroadcast v3, $0x0;
	v1 =	vmul.u32 $0x500, v1  }
0x17d: {  	v63 =	vor.u32 s30, v0;
	v2 =	vshll.u32 v2, $0x6  }
0x17e: {  	v4 =	vand.u32 $0x3F, v63;
	v1 =	vadd.s32 v2, v1  }
0x17f: {  	s8 =	simm.s32 $0xB00;
	v1 =	vor.u32 v4, v1  }
0x180: {  	s10 =	simm.s32 $0x490;
	[tilespmem:s8+$0x0] =	vst v1  }
0x181: {  	v2 =	vld [tilespmem:s10+$0x0]  }
0x182: {  	s7 =	simm.s32 $0x4A0;
	v1 =	vld.idx.msk [tilespmem:v3+s6+$0x0], $0xffff  }
0x183: {  	s12 =	sadd.s32 $0x4A0, s4;
	s11 =	simm.s32 $0x4B0;
	s9 =	simm.s32 $0x490  }
.LBB2_19:
0x184: {  	p0 =	sne.s32 s11, $0x4F0;
	v3 =	vmov s12  }
0x185: {  	v3 =	vshra.s32 v3, $0x6  }
0x186: {  	v2 =	vmul.u32 $0x500, v2;
	v3 =	vbroadcast v3, $0x0  }
0x187: {  	v4 =	vor.u32 s10, v0;
	s10 =	smov.u32 s7;
	s7 =	smov.u32 s11;
	v1 =	vshll.u32 v1, $0x6  }
0x188: {  	v4 =	vand.u32 $0x3F, v4;
	v1 =	vadd.s32 v1, v2  }
0x189: {  	s8 =	sadd.s32 $0x10, s8;
	v1 =	vor.u32 v4, v1  }
.Ltmp9:
0x18a: {  	s9 =	sadd.s32 $0x10, s9;
	[tilespmem:s8+$0x0] =	vst v1;
	(pc) =	sbr.rel @p0 .LBB2_19-.Ltmp9, $3  }
0x18b: {  	v2 =	vld [tilespmem:s9+$0x0]  }
0x18c: {  	v1 =	vld.idx.msk [tilespmem:v3+s6+$0x0], $0xffff;
	_ =	sdelay $0x1  }
0x18d: {  	s11 =	sadd.s32 $0x10, s11;
	s12 =	sadd.s32 s4, s7  }
0x18e: {  	v3 =	vmov s12  }
0x18f: {  	v3 =	vshra.s32 v3, $0x6  }
0x190: {  	v2 =	vmul.u32 $0x500, v2;
	v3 =	vbroadcast v3, $0x0  }
0x191: {  	v4 =	vor.u32 s10, v0;
	v1 =	vshll.u32 v1, $0x6  }
0x192: {  	v4 =	vand.u32 $0x3F, v4;
	v1 =	vadd.s32 v1, v2  }
0x193: {  	s4 =	sadd.s32 $0x10, s8;
	v1 =	vor.u32 v4, v1  }
0x194: {  	s23 =	sadd.s32 $0x10, s9;
	[tilespmem:s4+$0x0] =	vst v1  }
0x195: {  	v1 =	vld [tilespmem:s23+$0x0]  }
0x196: {  	v62 =	vld.idx.msk [tilespmem:v3+s6+$0x0], $0xffff;
	_ =	sdelay $0x3  }
0x197: {  	v1 =	vmul.u32 $0x500, v1  }
0x198: {  	v63 =	vor.u32 s7, v0;
	v2 =	vshll.u32 v62, $0x6  }
0x199: {  	v0 =	vand.u32 $0x3F, v63;
	v1 =	vadd.s32 v2, v1  }
0x19a: {  	s24 =	simm.s32 $0x80;
	s4 =	sadd.s32 $0x10, s4;
	v0 =	vor.u32 v0, v1  }
0x19b: {  	s25 =	simm.s32 $0xB00;
	s26 =	simm.s32 $0x1300;
	s28 =	simm.s32 $0x1;
	[tilespmem:s4+$0x0] =	vst v0  }
0x19c: {  	[tilespmem:s26], [sflag:$0x1] =	stream.indirect.gather [hbm4b:s5+s24], $0x1, s25, s24, $0xb8;
	[tilespmem:$0x1380] =	vst v63  }
0x19d: {  	_ =	swait.ge [sflag:s28], $0x80  }
0x19e: {  	[sflag:s28] =	ssyncset.done $0x0  }
0x19f: {  	[sflag:s28] =	ssyncadd.s32 $0xFFFFFF80  }
0x1a0: {  	_ =	swait.ge [sflag:s28], $0x80  }
0x1a1: {  	[sflag:s28] =	ssyncset.done $0x0  }
0x1a2: {  	[sflag:s28] =	ssyncadd.s32 $0xFFFFFF80  }
0x1a3: {  	_ =	swait.ge [sflag:s28], $0x80  }
0x1a4: {  	[sflag:s28] =	ssyncset.done $0x0  }
0x1a5: {  	[sflag:s28] =	ssyncadd.s32 $0xFFFFFF80  }
0x1a6: {  	_ =	swait.ge [sflag:s28], $0x80  }
0x1a7: {  	[sflag:s28] =	ssyncset.done $0x0  }
0x1a8: {  	[sflag:s28] =	ssyncadd.s32 $0xFFFFFF80  }
0x1a9: {  	_ =	swait.ge [sflag:s28], $0x80  }
0x1aa: {  	[sflag:s28] =	ssyncset.done $0x0  }
0x1ab: {  	[sflag:s28] =	ssyncadd.s32 $0xFFFFFF80  }
0x1ac: {  	_ =	swait.ge [sflag:s28], $0x80  }
0x1ad: {  	[sflag:s28] =	ssyncset.done $0x0  }
0x1ae: {  	[sflag:s28] =	ssyncadd.s32 $0xFFFFFF80  }
0x1af: {  	_ =	swait.ge [sflag:s28], $0x80  }
0x1b0: {  	[sflag:s28] =	ssyncset.done $0x0  }
0x1b1: {  	[sflag:s28] =	ssyncadd.s32 $0xFFFFFF80  }
0x1b2: {  	_ =	swait.ge [sflag:s28], $0x80  }
0x1b3: {  	[sflag:s28] =	ssyncset.done $0x0  }
0x1b4: {  	[sflag:s28] =	ssyncadd.s32 $0xFFFFFF80  }
0x1b5: {  	_ =	swait.ge [sflag:s28], $0x80  }
0x1b6: {  	[sflag:s28] =	ssyncset.done $0x0  }
0x1b7: {  	[sflag:s28] =	ssyncadd.s32 $0xFFFFFF80  }
0x1b8: {  	_ =	swait.ge [sflag:s28], $0x80  }
0x1b9: {  	s2 =	sadd.s32 s3, s2;
	s29 =	simm.s32 $0x0;
	[sflag:s28] =	ssyncset.done $0x0  }
0x1ba: {  	s30 =	simm.s32 $0xE80;
	s31 =	simm.s32 $0x2;
	[sflag:s28] =	ssyncadd.s32 $0xFFFFFF80  }
0x1bb: {  	[hbm4b:s2+s29] =	stream.linear.scatter [tilespmem:s30], [sflag:$0x2], $0x500, $0x38;
	[tilespmem:$0x1380] =	vst v63  }
0x1bc: {  	_ =	swait.ge [sflag:s31], $0x500  }
0x1bd: {  	[sflag:s31] =	ssyncset.done $0x0  }
0x1be: {  	[sflag:s31] =	ssyncadd.s32 $0xFFFFFB00  }
0x1bf: {  	_ =	sfence.sel $0x180000  }
0x1c0: {  	[bflag:$0x0] =	sbarrier.arrive $0xFFFF  }
0x1c1: {  	p0 =	sne.s32 s0, $0x0;
	_ =	strace $0x90000047  }
0x1c2: {  	s0 =	sadd.s32 @!p0 $0x100000, s1;
	[bflag:$0x2] =	sbarrier.arrive $0xFFFF  }
0x1c3: {  	[sflag:s0] =	ssyncadd.tile.s32 @!p0 $0x1;
	_ =	shalt  }
.Lfunc_end2:
_tile_overlayer_lowered:
.L_overlay_start_2:
0x1c4: {  	(tag) =	ssettag $0x2  }
0x1c5: {  	s0 =	rddreg [dreg:$0x0];
	s2 =	stileid.u32  }
0x1c6: {  	s1 =	rddreg [dreg:$0x1];
	p0 =	sne.s32 s2, $0x0  }
0x1c7: {  	s3 =	rddreg [dreg:$0x2];
	[bflag:$0x3] =	sbarrier.arrive $0xFFFF;
	s2 =	simm.s32 @!p0 $0x1C02  }
0x1c8: {  	[timem:s3], [sflag:s2] =	dma.local @!p0 [hbm:s0], s1  }
0x1c9: {  	s0 =	simm.s32 @!p0 $0x2  }
0x1ca: {  	_ =	swait.ge @!p0 [sflag:s0], s1  }
0x1cb: {  	s1 =	ssub.s32 @!p0 $0x0, s1;
	[sflag:s0] =	ssyncset.done @!p0 $0x0  }
0x1cc: {  	[sflag:s0] =	ssyncadd.s32 @!p0 s1  }
0x1cd: {  	[bflag:$0x3] =	sbarrier.arrive $0xFFFF  }
0x1ce: {  	_ =	shalt  }

</sc_bundles>
